<compile_context>
chip_gen: v7x
topology: tpu7x:2x2x1
jax: 0.10.2.dev20260603
libtpu: 0.0.44.dev20260713+nightly
codegen_flags: <defaults>
</compile_context>

<pallas_src>
import functools

import jax
import jax.numpy as jnp
from jax import lax
from jax.experimental import pallas as pl
from jax.experimental.pallas import tpu as pltpu
from jax.experimental.pallas import tpu_sc as plsc

N = 10000
E = 320000
D = 128
DH = D // 2
ED = 16
CW = 8
NC, NS = 2, 16
EPT = E // NS
K = 200
NCHUNK = EPT // K
KB = 200
NCHUNKB = EPT // KB
NCB = -(-NCHUNKB // 2)

CZ = 80
NROWCHUNK = N // CZ
NZ = -(-NROWCHUNK // NS)

_mesh = plsc.VectorSubcoreMesh(
    core_axis_name="c", subcore_axis_name="s", num_cores=NC, num_subcores=NS)


@functools.partial(
    pl.kernel,
    out_type=(jax.ShapeDtypeStruct((NC * N, DH), jnp.float32),
              jax.ShapeDtypeStruct((NC * N, CW), jnp.float32)),
    mesh=_mesh,
    compiler_params=pltpu.CompilerParams(use_tc_tiling_on_sc=False),
    scratch_types=[
        pltpu.VMEM((NCHUNK, K), jnp.int32),
        pltpu.VMEM((NCHUNK, K), jnp.int32),
        pltpu.VMEM((3, K, DH), jnp.float32),
        pltpu.VMEM((K, CW), jnp.float32),
        pltpu.VMEM((CZ, DH), jnp.float32),
        pltpu.VMEM((CZ, CW), jnp.float32),
        pltpu.VMEM_SHARED((N, DH), jnp.float32),
        pltpu.VMEM_SHARED((N, CW), jnp.float32),
        pltpu.SemaphoreType.DMA,
        pltpu.SemaphoreType.DMA,
        pltpu.SemaphoreType.DMA,
        pltpu.SemaphoreType.DMA,
    ],
)
def _sc_xcount(xl_hbm, xr_hbm, src_hbm, dst_hbm, ones_hbm, zx_hbm, zc_hbm,
               outx_hbm, outc_hbm,
               srcb, dstb, rows, onesv, stx, stc, accx, accc,
               isem, gsem, ssem, csem):
    cid = lax.axis_index("c")
    sid = lax.axis_index("s")

    pltpu.sync_copy(zx_hbm, stx)
    pltpu.sync_copy(zc_hbm, stc)
    pltpu.sync_copy(ones_hbm, onesv)

    @pl.loop(0, NZ)
    def _(j):
        idx = j * NS + sid

        @pl.when(idx < NROWCHUNK)
        def _():
            r0 = idx * CZ
            pltpu.sync_copy(stx, accx.at[pl.ds(r0, CZ)])
            pltpu.sync_copy(stc, accc.at[pl.ds(r0, CZ)])

    plsc.subcore_barrier()

    base0 = sid * EPT

    @pl.loop(0, NCHUNK)
    def _(j):
        pltpu.async_copy(
            src_hbm.at[pl.ds(base0 + j * K, K)], srcb.at[j], isem)
        pltpu.async_copy(
            dst_hbm.at[pl.ds(base0 + j * K, K)], dstb.at[j], isem)

    @pl.loop(0, NCHUNK)
    def _(j):
        pltpu.make_async_copy(
            src_hbm.at[pl.ds(base0 + j * K, K)], srcb.at[j], isem).wait()
        pltpu.make_async_copy(
            dst_hbm.at[pl.ds(base0 + j * K, K)], dstb.at[j], isem).wait()

    def issue_gather(c, b):
        @pl.when(cid == 0)
        def _():
            pltpu.async_copy(xl_hbm.at[srcb.at[c]], rows.at[b], gsem)

        @pl.when(cid == 1)
        def _():
            pltpu.async_copy(xr_hbm.at[srcb.at[c]], rows.at[b], gsem)

    def wait_gather(c, b):
        pltpu.make_async_copy(xl_hbm.at[srcb.at[c]], rows.at[b], gsem).wait()

    def issue_scatter(c, b):
        pltpu.async_copy(rows.at[b], accx.at[dstb.at[c]], ssem, add=True)

    def wait_scatter(c, b):
        pltpu.make_async_copy(rows.at[b], accx.at[dstb.at[c]], ssem).wait()

    def issue_cnt_scatter(c):
        pltpu.async_copy(onesv, accc.at[dstb.at[c]], csem, add=True)

    def wait_cnt_scatter(c):
        pltpu.make_async_copy(onesv, accc.at[dstb.at[c]], csem).wait()

    issue_gather(0, 0)

    @pl.loop(0, NCHUNK)
    def _(c):
        b = lax.rem(c, 3)
        wait_gather(c, b)

        @pl.when(c >= 2)
        def _():
            wait_scatter(c - 2, lax.rem(c - 2, 3))

        @pl.when(c + 1 < NCHUNK)
        def _():
            issue_gather(c + 1, lax.rem(c + 1, 3))

        issue_scatter(c, b)

        @pl.when(lax.rem(c, 2) == cid)
        def _():
            @pl.when(c >= 2)
            def _():
                wait_cnt_scatter(c - 2)

            issue_cnt_scatter(c)

    wait_scatter(NCHUNK - 2, lax.rem(NCHUNK - 2, 3))
    wait_scatter(NCHUNK - 1, lax.rem(NCHUNK - 1, 3))
    c_last = 2 * lax.div(NCHUNK - 1 - cid, 2) + cid
    wait_cnt_scatter(c_last)

    plsc.subcore_barrier()

    @pl.loop(0, NZ)
    def _(j):
        idx = j * NS + sid

        @pl.when(idx < NROWCHUNK)
        def _():
            r0 = idx * CZ
            pltpu.sync_copy(accx.at[pl.ds(r0, CZ)], stx)
            pltpu.sync_copy(stx, outx_hbm.at[pl.ds(cid * N + r0, CZ)])
            pltpu.sync_copy(accc.at[pl.ds(r0, CZ)], stc)
            pltpu.sync_copy(stc, outc_hbm.at[pl.ds(cid * N + r0, CZ)])


@functools.partial(
    pl.kernel,
    out_type=jax.ShapeDtypeStruct((NC * N, ED), jnp.float32),
    mesh=_mesh,
    compiler_params=pltpu.CompilerParams(use_tc_tiling_on_sc=False),
    scratch_types=[
        pltpu.VMEM((NCB, KB), jnp.int32),
        pltpu.VMEM((2, KB, ED), jnp.float32),
        pltpu.VMEM((CZ, ED), jnp.float32),
        pltpu.VMEM_SHARED((N, ED), jnp.float32),
        pltpu.SemaphoreType.DMA,
        pltpu.SemaphoreType.DMA,
        pltpu.SemaphoreType.DMA,
    ],
)
def _sc_edge(ea_hbm, dst_hbm, ze_hbm, oute_hbm,
             dstb, eav, ste, acce, isem, elsem, essem):
    cid = lax.axis_index("c")
    sid = lax.axis_index("s")

    pltpu.sync_copy(ze_hbm, ste)

    @pl.loop(0, NZ)
    def _(j):
        idx = j * NS + sid

        @pl.when(idx < NROWCHUNK)
        def _():
            pltpu.sync_copy(ste, acce.at[pl.ds(idx * CZ, CZ)])

    plsc.subcore_barrier()

    base0 = sid * EPT

    def chunk_of(j):
        return 2 * j + cid

    @pl.loop(0, NCB)
    def _(j):
        c = chunk_of(j)

        @pl.when(c < NCHUNKB)
        def _():
            pltpu.async_copy(
                dst_hbm.at[pl.ds(base0 + c * KB, KB)], dstb.at[j], isem)

    @pl.loop(0, NCB)
    def _(j):
        c = chunk_of(j)

        @pl.when(c < NCHUNKB)
        def _():
            pltpu.make_async_copy(
                dst_hbm.at[pl.ds(base0 + c * KB, KB)], dstb.at[j], isem).wait()

    def issue_ea_load(j, b):
        base = base0 + chunk_of(j) * KB
        pltpu.async_copy(ea_hbm.at[pl.ds(base, KB)], eav.at[b], elsem)

    def wait_ea_load(j, b):
        base = base0 + chunk_of(j) * KB
        pltpu.make_async_copy(
            ea_hbm.at[pl.ds(base, KB)], eav.at[b], elsem).wait()

    def issue_ea_scatter(j, b):
        pltpu.async_copy(eav.at[b], acce.at[dstb.at[j]], essem, add=True)

    def wait_ea_scatter(j, b):
        pltpu.make_async_copy(eav.at[b], acce.at[dstb.at[j]], essem).wait()

    nact = NCB - jnp.where(cid == 1, NCHUNKB % 2, 0)

    issue_ea_load(0, 0)

    @pl.loop(0, NCB)
    def _(j):
        @pl.when(chunk_of(j) < NCHUNKB)
        def _():
            b = lax.rem(j, 2)
            wait_ea_load(j, b)

            @pl.when(j >= 1)
            def _():
                wait_ea_scatter(j - 1, 1 - b)

            @pl.when(chunk_of(j + 1) < NCHUNKB)
            def _():
                issue_ea_load(j + 1, 1 - b)

            issue_ea_scatter(j, b)

    wait_ea_scatter(nact - 1, lax.rem(nact - 1, 2))

    plsc.subcore_barrier()

    @pl.loop(0, NZ)
    def _(j):
        idx = j * NS + sid

        @pl.when(idx < NROWCHUNK)
        def _():
            r0 = idx * CZ
            pltpu.sync_copy(acce.at[pl.ds(r0, CZ)], ste)
            pltpu.sync_copy(ste, oute_hbm.at[pl.ds(cid * N + r0, CZ)])


BN = 2000


def _tc_body(px_ref, pe_ref, pc_ref, x_ref, we_ref, wl_ref, wr_ref,
             be_ref, bl_ref, br_ref, g_ref, b_ref, o_ref):
    sx = jnp.concatenate([px_ref[0], px_ref[1]], axis=1)
    se = pe_ref[0] + pe_ref[1]
    cnt = (pc_ref[0] + pc_ref[1])[:, :1]
    num = sx + jnp.dot(se, we_ref[...], preferred_element_type=jnp.float32)
    num = num + cnt * be_ref[...]
    agg = num / jnp.maximum(cnt, 1.0)
    out = (jnp.dot(agg, wl_ref[...], preferred_element_type=jnp.float32)
           + jnp.dot(x_ref[...], wr_ref[...], preferred_element_type=jnp.float32)
           + bl_ref[...] + br_ref[...])
    mu = jnp.mean(out, axis=1, keepdims=True)
    ctr = out - mu
    var = jnp.mean(ctr * ctr, axis=1, keepdims=True)
    o_ref[...] = ctr * lax.rsqrt(var + 1e-5) * g_ref[...] + b_ref[...]


_tc_combine = pl.pallas_call(
    _tc_body,
    grid=(N // BN,),
    in_specs=[
        pl.BlockSpec((NC, BN, DH), lambda i: (0, i, 0)),
        pl.BlockSpec((NC, BN, ED), lambda i: (0, i, 0)),
        pl.BlockSpec((NC, BN, CW), lambda i: (0, i, 0)),
        pl.BlockSpec((BN, D), lambda i: (i, 0)),
        pl.BlockSpec((ED, D), lambda i: (0, 0)),
        pl.BlockSpec((D, D), lambda i: (0, 0)),
        pl.BlockSpec((D, D), lambda i: (0, 0)),
        pl.BlockSpec((1, D), lambda i: (0, 0)),
        pl.BlockSpec((1, D), lambda i: (0, 0)),
        pl.BlockSpec((1, D), lambda i: (0, 0)),
        pl.BlockSpec((1, D), lambda i: (0, 0)),
        pl.BlockSpec((1, D), lambda i: (0, 0)),
    ],
    out_specs=pl.BlockSpec((BN, D), lambda i: (i, 0)),
    out_shape=jax.ShapeDtypeStruct((N, D), jnp.float32),
)


def kernel(x, edge_index, edge_attr, W_edge, b_edge, W_l, b_l, W_r, b_r,
           gamma, beta):
    src = edge_index[0].astype(jnp.int32)
    dst = edge_index[1].astype(jnp.int32)
    xl = x[:, :DH]
    xr = x[:, DH:]
    ones = jnp.ones((K, CW), jnp.float32)
    zx = jnp.zeros((CZ, DH), jnp.float32)
    ze = jnp.zeros((CZ, ED), jnp.float32)
    zc = jnp.zeros((CZ, CW), jnp.float32)
    px, pc = _sc_xcount(xl, xr, src, dst, ones, zx, zc)
    pe = _sc_edge(edge_attr, dst, ze)
    px = px.reshape(NC, N, DH)
    pe = pe.reshape(NC, N, ED)
    pc = pc.reshape(NC, N, CW)
    return _tc_combine(px, pe, pc, x, W_edge, W_l, W_r,
                       b_edge.reshape(1, D), b_l.reshape(1, D),
                       b_r.reshape(1, D), gamma.reshape(1, D),
                       beta.reshape(1, D))

# --- scband reference (transcript-rebuilt; emitter-appended) ---
"""Pipeline reference for scband-le-gnn4-61598420959267 (READ-ONLY COPY).

The authoritative reference and input builder live on the scoring server;
editing this copy changes nothing except your own understanding.
"""

import jax, jax.numpy as jnp
import numpy as np

N_NODES = 10000
N_EDGES = 320000
D = 128
EDGE_DIM = 16


def setup_inputs(seed: int = 0) -> dict:
    key = jax.random.key(seed)
    k1, k2, k3, k4, k5, k6, k7 = jax.random.split(key, 7)
    x = jax.random.normal(k1, (N_NODES, D), dtype=jnp.float32)
    edge_index = jax.random.randint(k2, (2, N_EDGES), 0, N_NODES, dtype=jnp.int64)
    edge_attr = jax.random.normal(k3, (N_EDGES, EDGE_DIM), dtype=jnp.float32)
    s = 1.0 / np.sqrt(D)
    W_edge = jax.random.uniform(k4, (EDGE_DIM, D), dtype=jnp.float32, minval=-1.0/np.sqrt(EDGE_DIM), maxval=1.0/np.sqrt(EDGE_DIM))
    b_edge = jnp.zeros((D,), dtype=jnp.float32)
    W_l = jax.random.uniform(k5, (D, D), dtype=jnp.float32, minval=-s, maxval=s)
    b_l = jnp.zeros((D,), dtype=jnp.float32)
    W_r = jax.random.uniform(k6, (D, D), dtype=jnp.float32, minval=-s, maxval=s)
    b_r = jnp.zeros((D,), dtype=jnp.float32)
    gamma = jnp.ones((D,), dtype=jnp.float32)
    beta = jnp.zeros((D,), dtype=jnp.float32)
    return {"x": x, "edge_index": edge_index, "edge_attr": edge_attr,
            "W_edge": W_edge, "b_edge": b_edge, "W_l": W_l, "b_l": b_l,
            "W_r": W_r, "b_r": b_r, "gamma": gamma, "beta": beta}


def reference(x, edge_index, edge_attr, W_edge, b_edge, W_l, b_l, W_r, b_r, gamma, beta):
    # One heterogeneous-SAGE-style layer (single relation) from LeGNN4's
    # HeteroSAGEBackbone: edge-time features projected by an edge MLP (single
    # Linear, per mlp([edge_dim, d])), added to gathered src messages,
    # mean-aggregated to dst, SAGEConv combine lin_l(agg) + lin_r(x_dst),
    # followed by LayerNorm.
    src = edge_index[0]
    dst = edge_index[1]
    e = edge_attr @ W_edge + b_edge                      # [E, D]
    msg = jnp.take(x, src, axis=0) + e                   # gather, [E, D]
    agg_sum = jax.ops.segment_sum(msg, dst, num_segments=N_NODES)
    cnt = jax.ops.segment_sum(jnp.ones((msg.shape[0],), dtype=jnp.float32), dst, num_segments=N_NODES)
    agg = agg_sum / jnp.clip(cnt, 1.0)[:, None]          # scatter-mean
    out = agg @ W_l + b_l + x @ W_r + b_r                # SAGE combine
    mu = jnp.mean(out, axis=-1, keepdims=True)
    var = jnp.var(out, axis=-1, keepdims=True)
    out = (out - mu) / jnp.sqrt(var + 1e-5) * gamma + beta
    return out

if __name__ == "__main__":
    import jax
    _d = setup_inputs()
    print(jax.jit(kernel)(*tuple(_d.values())))

</pallas_src>

<mosaic_0001>
#map = affine_map<(d0, d1) -> (0, 0)>
#map1 = affine_map<(d0, d1) -> (0)>
module attributes {stable_mosaic.version = 14 : i64} {
  func.func @_sc_xcount(%arg0: i32, %arg1: i32, %arg2: memref<10000x64xf32, #tpu.memory_space<hbm>>, %arg3: memref<10000x64xf32, #tpu.memory_space<hbm>>, %arg4: memref<320000xi32, #tpu.memory_space<hbm>>, %arg5: memref<320000xi32, #tpu.memory_space<hbm>>, %arg6: memref<200x8xf32, #tpu.memory_space<hbm>>, %arg7: memref<80x64xf32, #tpu.memory_space<hbm>>, %arg8: memref<80x8xf32, #tpu.memory_space<hbm>>, %arg9: memref<20000x64xf32, #tpu.memory_space<hbm>>, %arg10: memref<20000x8xf32, #tpu.memory_space<hbm>>, %arg11: memref<100x200xi32, #tpu.memory_space<vmem>>, %arg12: memref<100x200xi32, #tpu.memory_space<vmem>>, %arg13: memref<3x200x64xf32, #tpu.memory_space<vmem>>, %arg14: memref<200x8xf32, #tpu.memory_space<vmem>>, %arg15: memref<80x64xf32, #tpu.memory_space<vmem>>, %arg16: memref<80x8xf32, #tpu.memory_space<vmem>>, %arg17: memref<10000x64xf32, #tpu.memory_space<vmem_shared>>, %arg18: memref<10000x8xf32, #tpu.memory_space<vmem_shared>>, %arg19: memref<!tpu.dma_semaphore, #tpu.memory_space<semaphore_mem>>, %arg20: memref<!tpu.dma_semaphore, #tpu.memory_space<semaphore_mem>>, %arg21: memref<!tpu.dma_semaphore, #tpu.memory_space<semaphore_mem>>, %arg22: memref<!tpu.dma_semaphore, #tpu.memory_space<semaphore_mem>>) attributes {dimension_semantics = [#tpu.dimension_semantics<core_parallel>, #tpu.dimension_semantics<subcore_parallel>], iteration_bounds = array<i64: 2, 16>, scalar_prefetch = 0 : i64, scratch_operands = 12 : i64, tpu.core_type = #tpu.core_type<sc_vector_subcore>, window_params = [{transform_indices = #map}, {transform_indices = #map}, {transform_indices = #map1}, {transform_indices = #map1}, {transform_indices = #map}, {transform_indices = #map}, {transform_indices = #map}, {transform_indices = #map}, {transform_indices = #map}]} {
    "tpu.region"() ({
      %run_scoped3A = tpu.sem_alloc : memref<!tpu.dma_semaphore, #tpu.memory_space<semaphore_mem>>
      tpu.enqueue_dma source(%arg7 : memref<80x64xf32, #tpu.memory_space<hbm>>) target(%arg15 : memref<80x64xf32, #tpu.memory_space<vmem>>) target_semaphore(%run_scoped3A : memref<!tpu.dma_semaphore, #tpu.memory_space<semaphore_mem>>)
      tpu.wait_dma2 semaphore(%run_scoped3A : memref<!tpu.dma_semaphore, #tpu.memory_space<semaphore_mem>>) src(%arg7 : memref<80x64xf32, #tpu.memory_space<hbm>>) dst(%arg15 : memref<80x64xf32, #tpu.memory_space<vmem>>)
      tpu.yield
    }) : () -> ()
    "tpu.region"() ({
      %run_scoped3A = tpu.sem_alloc : memref<!tpu.dma_semaphore, #tpu.memory_space<semaphore_mem>>
      tpu.enqueue_dma source(%arg8 : memref<80x8xf32, #tpu.memory_space<hbm>>) target(%arg16 : memref<80x8xf32, #tpu.memory_space<vmem>>) target_semaphore(%run_scoped3A : memref<!tpu.dma_semaphore, #tpu.memory_space<semaphore_mem>>)
      tpu.wait_dma2 semaphore(%run_scoped3A : memref<!tpu.dma_semaphore, #tpu.memory_space<semaphore_mem>>) src(%arg8 : memref<80x8xf32, #tpu.memory_space<hbm>>) dst(%arg16 : memref<80x8xf32, #tpu.memory_space<vmem>>)
      tpu.yield
    }) : () -> ()
    "tpu.region"() ({
      %run_scoped3A = tpu.sem_alloc : memref<!tpu.dma_semaphore, #tpu.memory_space<semaphore_mem>>
      tpu.enqueue_dma source(%arg6 : memref<200x8xf32, #tpu.memory_space<hbm>>) target(%arg14 : memref<200x8xf32, #tpu.memory_space<vmem>>) target_semaphore(%run_scoped3A : memref<!tpu.dma_semaphore, #tpu.memory_space<semaphore_mem>>)
      tpu.wait_dma2 semaphore(%run_scoped3A : memref<!tpu.dma_semaphore, #tpu.memory_space<semaphore_mem>>) src(%arg6 : memref<200x8xf32, #tpu.memory_space<hbm>>) dst(%arg14 : memref<200x8xf32, #tpu.memory_space<vmem>>)
      tpu.yield
    }) : () -> ()
    %scan3A = arith.constant 0 : i32
    %scan3A_0 = arith.constant 8 : i32
    %scan3A_1 = arith.addi %scan3A, %scan3A_0 : i32
    %scan3A_2 = arith.constant 1 : i32
    scf.for %scan3A_69 = %scan3A to %scan3A_1 step %scan3A_2  : i32 {
      %mul3A_70 = arith.constant 1 : i32
      %mul3A_71 = arith.muli %scan3A_69, %mul3A_70 : i32
      %add3A_72 = arith.constant 0 : i32
      %add3A_73 = arith.addi %add3A_72, %mul3A_71 : i32
      %mul3A_74 = arith.constant 16 : i32
      %mul3A_75 = arith.muli %add3A_73, %mul3A_74 : i32
      %add3A_76 = arith.addi %mul3A_75, %arg1 : i32
      %lt3A = arith.constant 125 : i32
      %lt3A_77 = arith.cmpi slt, %add3A_76, %lt3A : i32
      %convert_element_type3A_78 = arith.extui %lt3A_77 : i1 to i32
      %cond3A_79 = arith.constant 0 : i32
      %cond3A_80 = arith.cmpi ne, %convert_element_type3A_78, %cond3A_79 : i32
      scf.if %cond3A_80 {
        %mul3A_81 = arith.constant 80 : i32
        %mul3A_82 = arith.muli %add3A_76, %mul3A_81 : i32
        "tpu.region"() ({
          %run_scoped3A = tpu.sem_alloc : memref<!tpu.dma_semaphore, #tpu.memory_space<semaphore_mem>>
          %dma_start3A = arith.constant 0 : i32
          %dma_start3A_83 = tpu.memref_slice %arg17[%mul3A_82, %dma_start3A] : memref<10000x64xf32, #tpu.memory_space<vmem_shared>> -> memref<80x64xf32, #tpu.memory_space<vmem_shared>>
          %dma_start3A_84 = arith.constant 0 : i32
          %dma_start3A_85 = tpu.memref_slice %arg17[%mul3A_82, %dma_start3A_84] : memref<10000x64xf32, #tpu.memory_space<vmem_shared>> -> memref<80x64xf32, #tpu.memory_space<vmem_shared>>
          tpu.enqueue_dma source(%arg15 : memref<80x64xf32, #tpu.memory_space<vmem>>) target(%dma_start3A_85 : memref<80x64xf32, #tpu.memory_space<vmem_shared>>) target_semaphore(%run_scoped3A : memref<!tpu.dma_semaphore, #tpu.memory_space<semaphore_mem>>)
          %dma_wait3A_86 = arith.constant 0 : i32
          %dma_wait3A_87 = tpu.memref_slice %arg17[%mul3A_82, %dma_wait3A_86] : memref<10000x64xf32, #tpu.memory_space<vmem_shared>> -> memref<80x64xf32, #tpu.memory_space<vmem_shared>>
          %dma_wait3A_88 = arith.constant 0 : i32
          %dma_wait3A_89 = tpu.memref_slice %arg17[%mul3A_82, %dma_wait3A_88] : memref<10000x64xf32, #tpu.memory_space<vmem_shared>> -> memref<80x64xf32, #tpu.memory_space<vmem_shared>>
          tpu.wait_dma2 semaphore(%run_scoped3A : memref<!tpu.dma_semaphore, #tpu.memory_space<semaphore_mem>>) src(%arg15 : memref<80x64xf32, #tpu.memory_space<vmem>>) dst(%dma_wait3A_89 : memref<80x64xf32, #tpu.memory_space<vmem_shared>>)
          tpu.yield
        }) : () -> ()
        "tpu.region"() ({
          %run_scoped3A = tpu.sem_alloc : memref<!tpu.dma_semaphore, #tpu.memory_space<semaphore_mem>>
          %dma_start3A = arith.constant 0 : i32
          %dma_start3A_83 = tpu.memref_slice %arg18[%mul3A_82, %dma_start3A] : memref<10000x8xf32, #tpu.memory_space<vmem_shared>> -> memref<80x8xf32, #tpu.memory_space<vmem_shared>>
          %dma_start3A_84 = arith.constant 0 : i32
          %dma_start3A_85 = tpu.memref_slice %arg18[%mul3A_82, %dma_start3A_84] : memref<10000x8xf32, #tpu.memory_space<vmem_shared>> -> memref<80x8xf32, #tpu.memory_space<vmem_shared>>
          tpu.enqueue_dma source(%arg16 : memref<80x8xf32, #tpu.memory_space<vmem>>) target(%dma_start3A_85 : memref<80x8xf32, #tpu.memory_space<vmem_shared>>) target_semaphore(%run_scoped3A : memref<!tpu.dma_semaphore, #tpu.memory_space<semaphore_mem>>)
          %dma_wait3A_86 = arith.constant 0 : i32
          %dma_wait3A_87 = tpu.memref_slice %arg18[%mul3A_82, %dma_wait3A_86] : memref<10000x8xf32, #tpu.memory_space<vmem_shared>> -> memref<80x8xf32, #tpu.memory_space<vmem_shared>>
          %dma_wait3A_88 = arith.constant 0 : i32
          %dma_wait3A_89 = tpu.memref_slice %arg18[%mul3A_82, %dma_wait3A_88] : memref<10000x8xf32, #tpu.memory_space<vmem_shared>> -> memref<80x8xf32, #tpu.memory_space<vmem_shared>>
          tpu.wait_dma2 semaphore(%run_scoped3A : memref<!tpu.dma_semaphore, #tpu.memory_space<semaphore_mem>>) src(%arg16 : memref<80x8xf32, #tpu.memory_space<vmem>>) dst(%dma_wait3A_89 : memref<80x8xf32, #tpu.memory_space<vmem_shared>>)
          tpu.yield
        }) : () -> ()
      } else {
      }
    }
    %scan3A_3 = arith.constant 8 : i32
    %barrier3A = arith.constant 0 : index
    tpu.barrier barrier_id(%barrier3A)
    %mul3A = arith.constant 20000 : i32
    %mul3A_4 = arith.muli %arg1, %mul3A : i32
    %scan3A_5 = arith.constant 0 : i32
    %scan3A_6 = arith.constant 100 : i32
    %scan3A_7 = arith.addi %scan3A_5, %scan3A_6 : i32
    %scan3A_8 = arith.constant 1 : i32
    scf.for %scan3A_69 = %scan3A_5 to %scan3A_7 step %scan3A_8  : i32 {
      %mul3A_70 = arith.constant 1 : i32
      %mul3A_71 = arith.muli %scan3A_69, %mul3A_70 : i32
      %add3A_72 = arith.constant 0 : i32
      %add3A_73 = arith.addi %add3A_72, %mul3A_71 : i32
      %mul3A_74 = arith.constant 200 : i32
      %mul3A_75 = arith.muli %add3A_73, %mul3A_74 : i32
      %add3A_76 = arith.addi %mul3A_4, %mul3A_75 : i32
      %dma_start3A = arith.constant 0 : i32
      %dma_start3A_77 = tpu.memref_slice %arg11[%add3A_73, %dma_start3A] : memref<100x200xi32, #tpu.memory_space<vmem>> -> memref<1x200xi32, #tpu.memory_space<vmem>>
      %dma_start3A_78 = tpu.memref_squeeze %dma_start3A_77 : memref<1x200xi32, #tpu.memory_space<vmem>> -> memref<200xi32, #tpu.memory_space<vmem>>
      %dma_start3A_79 = tpu.memref_slice %arg4[%add3A_76] : memref<320000xi32, #tpu.memory_space<hbm>> -> memref<200xi32, #tpu.memory_space<hbm>>
      %dma_start3A_80 = arith.constant 0 : i32
      %dma_start3A_81 = tpu.memref_slice %arg11[%add3A_73, %dma_start3A_80] : memref<100x200xi32, #tpu.memory_space<vmem>> -> memref<1x200xi32, #tpu.memory_space<vmem>>
      %dma_start3A_82 = tpu.memref_squeeze %dma_start3A_81 : memref<1x200xi32, #tpu.memory_space<vmem>> -> memref<200xi32, #tpu.memory_space<vmem>>
      %dma_start3A_83 = tpu.memref_slice %arg4[%add3A_76] : memref<320000xi32, #tpu.memory_space<hbm>> -> memref<200xi32, #tpu.memory_space<hbm>>
      tpu.enqueue_dma source(%dma_start3A_83 : memref<200xi32, #tpu.memory_space<hbm>>) target(%dma_start3A_82 : memref<200xi32, #tpu.memory_space<vmem>>) target_semaphore(%arg19 : memref<!tpu.dma_semaphore, #tpu.memory_space<semaphore_mem>>)
      %mul3A_84 = arith.constant 200 : i32
      %mul3A_85 = arith.muli %add3A_73, %mul3A_84 : i32
      %add3A_86 = arith.addi %mul3A_4, %mul3A_85 : i32
      %dma_start3A_87 = arith.constant 0 : i32
      %dma_start3A_88 = tpu.memref_slice %arg12[%add3A_73, %dma_start3A_87] : memref<100x200xi32, #tpu.memory_space<vmem>> -> memref<1x200xi32, #tpu.memory_space<vmem>>
      %dma_start3A_89 = tpu.memref_squeeze %dma_start3A_88 : memref<1x200xi32, #tpu.memory_space<vmem>> -> memref<200xi32, #tpu.memory_space<vmem>>
      %dma_start3A_90 = tpu.memref_slice %arg5[%add3A_86] : memref<320000xi32, #tpu.memory_space<hbm>> -> memref<200xi32, #tpu.memory_space<hbm>>
      %dma_start3A_91 = arith.constant 0 : i32
      %dma_start3A_92 = tpu.memref_slice %arg12[%add3A_73, %dma_start3A_91] : memref<100x200xi32, #tpu.memory_space<vmem>> -> memref<1x200xi32, #tpu.memory_space<vmem>>
      %dma_start3A_93 = tpu.memref_squeeze %dma_start3A_92 : memref<1x200xi32, #tpu.memory_space<vmem>> -> memref<200xi32, #tpu.memory_space<vmem>>
      %dma_start3A_94 = tpu.memref_slice %arg5[%add3A_86] : memref<320000xi32, #tpu.memory_space<hbm>> -> memref<200xi32, #tpu.memory_space<hbm>>
      tpu.enqueue_dma source(%dma_start3A_94 : memref<200xi32, #tpu.memory_space<hbm>>) target(%dma_start3A_93 : memref<200xi32, #tpu.memory_space<vmem>>) target_semaphore(%arg19 : memref<!tpu.dma_semaphore, #tpu.memory_space<semaphore_mem>>)
    }
    %scan3A_9 = arith.constant 100 : i32
    %scan3A_10 = arith.constant 0 : i32
    %scan3A_11 = arith.constant 100 : i32
    %scan3A_12 = arith.addi %scan3A_10, %scan3A_11 : i32
    %scan3A_13 = arith.constant 1 : i32
    scf.for %scan3A_69 = %scan3A_10 to %scan3A_12 step %scan3A_13  : i32 {
      %mul3A_70 = arith.constant 1 : i32
      %mul3A_71 = arith.muli %scan3A_69, %mul3A_70 : i32
      %add3A_72 = arith.constant 0 : i32
      %add3A_73 = arith.addi %add3A_72, %mul3A_71 : i32
      %mul3A_74 = arith.constant 200 : i32
      %mul3A_75 = arith.muli %add3A_73, %mul3A_74 : i32
      %add3A_76 = arith.addi %mul3A_4, %mul3A_75 : i32
      %dma_wait3A_77 = arith.constant 0 : i32
      %dma_wait3A_78 = tpu.memref_slice %arg11[%add3A_73, %dma_wait3A_77] : memref<100x200xi32, #tpu.memory_space<vmem>> -> memref<1x200xi32, #tpu.memory_space<vmem>>
      %dma_wait3A_79 = tpu.memref_squeeze %dma_wait3A_78 : memref<1x200xi32, #tpu.memory_space<vmem>> -> memref<200xi32, #tpu.memory_space<vmem>>
      %dma_wait3A_80 = tpu.memref_slice %arg4[%add3A_76] : memref<320000xi32, #tpu.memory_space<hbm>> -> memref<200xi32, #tpu.memory_space<hbm>>
      %dma_wait3A_81 = arith.constant 0 : i32
      %dma_wait3A_82 = tpu.memref_slice %arg11[%add3A_73, %dma_wait3A_81] : memref<100x200xi32, #tpu.memory_space<vmem>> -> memref<1x200xi32, #tpu.memory_space<vmem>>
      %dma_wait3A_83 = tpu.memref_squeeze %dma_wait3A_82 : memref<1x200xi32, #tpu.memory_space<vmem>> -> memref<200xi32, #tpu.memory_space<vmem>>
      %dma_wait3A_84 = tpu.memref_slice %arg4[%add3A_76] : memref<320000xi32, #tpu.memory_space<hbm>> -> memref<200xi32, #tpu.memory_space<hbm>>
      tpu.wait_dma2 semaphore(%arg19 : memref<!tpu.dma_semaphore, #tpu.memory_space<semaphore_mem>>) src(%dma_wait3A_84 : memref<200xi32, #tpu.memory_space<hbm>>) dst(%dma_wait3A_83 : memref<200xi32, #tpu.memory_space<vmem>>)
      %mul3A_85 = arith.constant 200 : i32
      %mul3A_86 = arith.muli %add3A_73, %mul3A_85 : i32
      %add3A_87 = arith.addi %mul3A_4, %mul3A_86 : i32
      %dma_wait3A_88 = arith.constant 0 : i32
      %dma_wait3A_89 = tpu.memref_slice %arg12[%add3A_73, %dma_wait3A_88] : memref<100x200xi32, #tpu.memory_space<vmem>> -> memref<1x200xi32, #tpu.memory_space<vmem>>
      %dma_wait3A_90 = tpu.memref_squeeze %dma_wait3A_89 : memref<1x200xi32, #tpu.memory_space<vmem>> -> memref<200xi32, #tpu.memory_space<vmem>>
      %dma_wait3A_91 = tpu.memref_slice %arg5[%add3A_87] : memref<320000xi32, #tpu.memory_space<hbm>> -> memref<200xi32, #tpu.memory_space<hbm>>
      %dma_wait3A_92 = arith.constant 0 : i32
      %dma_wait3A_93 = tpu.memref_slice %arg12[%add3A_73, %dma_wait3A_92] : memref<100x200xi32, #tpu.memory_space<vmem>> -> memref<1x200xi32, #tpu.memory_space<vmem>>
      %dma_wait3A_94 = tpu.memref_squeeze %dma_wait3A_93 : memref<1x200xi32, #tpu.memory_space<vmem>> -> memref<200xi32, #tpu.memory_space<vmem>>
      %dma_wait3A_95 = tpu.memref_slice %arg5[%add3A_87] : memref<320000xi32, #tpu.memory_space<hbm>> -> memref<200xi32, #tpu.memory_space<hbm>>
      tpu.wait_dma2 semaphore(%arg19 : memref<!tpu.dma_semaphore, #tpu.memory_space<semaphore_mem>>) src(%dma_wait3A_95 : memref<200xi32, #tpu.memory_space<hbm>>) dst(%dma_wait3A_94 : memref<200xi32, #tpu.memory_space<vmem>>)
    }
    %scan3A_14 = arith.constant 100 : i32
    %eq3A = arith.constant 0 : i32
    %eq3A_15 = arith.cmpi eq, %arg0, %eq3A : i32
    %convert_element_type3A = arith.extui %eq3A_15 : i1 to i32
    %cond3A = arith.constant 0 : i32
    %cond3A_16 = arith.cmpi ne, %convert_element_type3A, %cond3A : i32
    scf.if %cond3A_16 {
      %dma_start3A = arith.constant 0 : i32
      %dma_start3A_69 = arith.constant 0 : i32
      %dma_start3A_70 = arith.constant 0 : i32
      %dma_start3A_71 = arith.constant 0 : i32
      %dma_start3A_72 = tpu.memref_slice %arg13[%dma_start3A_69, %dma_start3A_70, %dma_start3A_71] : memref<3x200x64xf32, #tpu.memory_space<vmem>> -> memref<1x200x64xf32, #tpu.memory_space<vmem>>
      %dma_start3A_73 = tpu.memref_squeeze %dma_start3A_72 : memref<1x200x64xf32, #tpu.memory_space<vmem>> -> memref<200x64xf32, #tpu.memory_space<vmem>>
      %dma_start3A_74 = arith.constant 0 : i32
      %dma_start3A_75 = tpu.memref_slice %arg11[%dma_start3A, %dma_start3A_74] : memref<100x200xi32, #tpu.memory_space<vmem>> -> memref<1x200xi32, #tpu.memory_space<vmem>>
      %dma_start3A_76 = tpu.memref_squeeze %dma_start3A_75 : memref<1x200xi32, #tpu.memory_space<vmem>> -> memref<200xi32, #tpu.memory_space<vmem>>
      %dma_start3A_77 = arith.constant 0 : i32
      %dma_start3A_78 = arith.constant 0 : i32
      %dma_start3A_79 = tpu.memref_slice %arg2[%dma_start3A_77, %dma_start3A_78] : memref<10000x64xf32, #tpu.memory_space<hbm>> -> memref<10000x64xf32, #tpu.memory_space<hbm>>
      tpu.enqueue_indirect_dma source(%dma_start3A_79 : memref<10000x64xf32, #tpu.memory_space<hbm>>) target(%dma_start3A_73 : memref<200x64xf32, #tpu.memory_space<vmem>>) offsets(%dma_start3A_76 : memref<200xi32, #tpu.memory_space<vmem>>) semaphore(%arg20 : memref<!tpu.dma_semaphore, #tpu.memory_space<semaphore_mem>>)
    } else {
    }
    %eq3A_17 = arith.constant 1 : i32
    %eq3A_18 = arith.cmpi eq, %arg0, %eq3A_17 : i32
    %convert_element_type3A_19 = arith.extui %eq3A_18 : i1 to i32
    %cond3A_20 = arith.constant 0 : i32
    %cond3A_21 = arith.cmpi ne, %convert_element_type3A_19, %cond3A_20 : i32
    scf.if %cond3A_21 {
      %dma_start3A = arith.constant 0 : i32
      %dma_start3A_69 = arith.constant 0 : i32
      %dma_start3A_70 = arith.constant 0 : i32
      %dma_start3A_71 = arith.constant 0 : i32
      %dma_start3A_72 = tpu.memref_slice %arg13[%dma_start3A_69, %dma_start3A_70, %dma_start3A_71] : memref<3x200x64xf32, #tpu.memory_space<vmem>> -> memref<1x200x64xf32, #tpu.memory_space<vmem>>
      %dma_start3A_73 = tpu.memref_squeeze %dma_start3A_72 : memref<1x200x64xf32, #tpu.memory_space<vmem>> -> memref<200x64xf32, #tpu.memory_space<vmem>>
      %dma_start3A_74 = arith.constant 0 : i32
      %dma_start3A_75 = tpu.memref_slice %arg11[%dma_start3A, %dma_start3A_74] : memref<100x200xi32, #tpu.memory_space<vmem>> -> memref<1x200xi32, #tpu.memory_space<vmem>>
      %dma_start3A_76 = tpu.memref_squeeze %dma_start3A_75 : memref<1x200xi32, #tpu.memory_space<vmem>> -> memref<200xi32, #tpu.memory_space<vmem>>
      %dma_start3A_77 = arith.constant 0 : i32
      %dma_start3A_78 = arith.constant 0 : i32
      %dma_start3A_79 = tpu.memref_slice %arg3[%dma_start3A_77, %dma_start3A_78] : memref<10000x64xf32, #tpu.memory_space<hbm>> -> memref<10000x64xf32, #tpu.memory_space<hbm>>
      tpu.enqueue_indirect_dma source(%dma_start3A_79 : memref<10000x64xf32, #tpu.memory_space<hbm>>) target(%dma_start3A_73 : memref<200x64xf32, #tpu.memory_space<vmem>>) offsets(%dma_start3A_76 : memref<200xi32, #tpu.memory_space<vmem>>) semaphore(%arg20 : memref<!tpu.dma_semaphore, #tpu.memory_space<semaphore_mem>>)
    } else {
    }
    %scan3A_22 = arith.constant 0 : i32
    %scan3A_23 = arith.constant 100 : i32
    %scan3A_24 = arith.addi %scan3A_22, %scan3A_23 : i32
    %scan3A_25 = arith.constant 1 : i32
    scf.for %scan3A_69 = %scan3A_22 to %scan3A_24 step %scan3A_25  : i32 {
      %mul3A_70 = arith.constant 1 : i32
      %mul3A_71 = arith.muli %scan3A_69, %mul3A_70 : i32
      %add3A_72 = arith.constant 0 : i32
      %add3A_73 = arith.addi %add3A_72, %mul3A_71 : i32
      %rem3A_74 = arith.constant 3 : i32
      %rem3A_75 = arith.remsi %add3A_73, %rem3A_74 : i32
      %dma_wait3A_76 = arith.constant 0 : i32
      %dma_wait3A_77 = arith.constant 0 : i32
      %dma_wait3A_78 = tpu.memref_slice %arg13[%rem3A_75, %dma_wait3A_76, %dma_wait3A_77] : memref<3x200x64xf32, #tpu.memory_space<vmem>> -> memref<1x200x64xf32, #tpu.memory_space<vmem>>
      %dma_wait3A_79 = tpu.memref_squeeze %dma_wait3A_78 : memref<1x200x64xf32, #tpu.memory_space<vmem>> -> memref<200x64xf32, #tpu.memory_space<vmem>>
      %dma_wait3A_80 = arith.constant 0 : i32
      %dma_wait3A_81 = tpu.memref_slice %arg11[%add3A_73, %dma_wait3A_80] : memref<100x200xi32, #tpu.memory_space<vmem>> -> memref<1x200xi32, #tpu.memory_space<vmem>>
      %dma_wait3A_82 = tpu.memref_squeeze %dma_wait3A_81 : memref<1x200xi32, #tpu.memory_space<vmem>> -> memref<200xi32, #tpu.memory_space<vmem>>
      %dma_wait3A_83 = arith.constant 0 : i32
      %dma_wait3A_84 = arith.constant 0 : i32
      %dma_wait3A_85 = tpu.memref_slice %arg2[%dma_wait3A_83, %dma_wait3A_84] : memref<10000x64xf32, #tpu.memory_space<hbm>> -> memref<10000x64xf32, #tpu.memory_space<hbm>>
      tpu.wait_indirect_dma semaphore(%arg20 : memref<!tpu.dma_semaphore, #tpu.memory_space<semaphore_mem>>) src(%dma_wait3A_85 : memref<10000x64xf32, #tpu.memory_space<hbm>>) dst(%dma_wait3A_79 : memref<200x64xf32, #tpu.memory_space<vmem>>)
      %ge3A = arith.constant 2 : i32
      %ge3A_86 = arith.cmpi sge, %add3A_73, %ge3A : i32
      %convert_element_type3A_87 = arith.extui %ge3A_86 : i1 to i32
      %cond3A_88 = arith.constant 0 : i32
      %cond3A_89 = arith.cmpi ne, %convert_element_type3A_87, %cond3A_88 : i32
      scf.if %cond3A_89 {
        %sub3A_111 = arith.constant 2 : i32
        %sub3A_112 = arith.subi %add3A_73, %sub3A_111 : i32
        %sub3A_113 = arith.constant 2 : i32
        %sub3A_114 = arith.subi %add3A_73, %sub3A_113 : i32
        %rem3A_115 = arith.constant 3 : i32
        %rem3A_116 = arith.remsi %sub3A_114, %rem3A_115 : i32
        %dma_wait3A_117 = arith.constant 0 : i32
        %dma_wait3A_118 = arith.constant 0 : i32
        %dma_wait3A_119 = tpu.memref_slice %arg13[%rem3A_116, %dma_wait3A_117, %dma_wait3A_118] : memref<3x200x64xf32, #tpu.memory_space<vmem>> -> memref<1x200x64xf32, #tpu.memory_space<vmem>>
        %dma_wait3A_120 = tpu.memref_squeeze %dma_wait3A_119 : memref<1x200x64xf32, #tpu.memory_space<vmem>> -> memref<200x64xf32, #tpu.memory_space<vmem>>
        %dma_wait3A_121 = arith.constant 0 : i32
        %dma_wait3A_122 = tpu.memref_slice %arg12[%sub3A_112, %dma_wait3A_121] : memref<100x200xi32, #tpu.memory_space<vmem>> -> memref<1x200xi32, #tpu.memory_space<vmem>>
        %dma_wait3A_123 = tpu.memref_squeeze %dma_wait3A_122 : memref<1x200xi32, #tpu.memory_space<vmem>> -> memref<200xi32, #tpu.memory_space<vmem>>
        %dma_wait3A_124 = arith.constant 0 : i32
        %dma_wait3A_125 = arith.constant 0 : i32
        %dma_wait3A_126 = tpu.memref_slice %arg17[%dma_wait3A_124, %dma_wait3A_125] : memref<10000x64xf32, #tpu.memory_space<vmem_shared>> -> memref<10000x64xf32, #tpu.memory_space<vmem_shared>>
        tpu.wait_indirect_dma semaphore(%arg21 : memref<!tpu.dma_semaphore, #tpu.memory_space<semaphore_mem>>) src(%dma_wait3A_120 : memref<200x64xf32, #tpu.memory_space<vmem>>) dst(%dma_wait3A_126 : memref<10000x64xf32, #tpu.memory_space<vmem_shared>>)
      } else {
      }
      %add3A_90 = arith.constant 1 : i32
      %add3A_91 = arith.addi %add3A_73, %add3A_90 : i32
      %lt3A = arith.constant 100 : i32
      %lt3A_92 = arith.cmpi slt, %add3A_91, %lt3A : i32
      %convert_element_type3A_93 = arith.extui %lt3A_92 : i1 to i32
      %cond3A_94 = arith.constant 0 : i32
      %cond3A_95 = arith.cmpi ne, %convert_element_type3A_93, %cond3A_94 : i32
      scf.if %cond3A_95 {
        %add3A_111 = arith.constant 1 : i32
        %add3A_112 = arith.addi %add3A_73, %add3A_111 : i32
        %add3A_113 = arith.constant 1 : i32
        %add3A_114 = arith.addi %add3A_73, %add3A_113 : i32
        %rem3A_115 = arith.constant 3 : i32
        %rem3A_116 = arith.remsi %add3A_114, %rem3A_115 : i32
        %eq3A_117 = arith.constant 0 : i32
        %eq3A_118 = arith.cmpi eq, %arg0, %eq3A_117 : i32
        %convert_element_type3A_119 = arith.extui %eq3A_118 : i1 to i32
        %cond3A_120 = arith.constant 0 : i32
        %cond3A_121 = arith.cmpi ne, %convert_element_type3A_119, %cond3A_120 : i32
        scf.if %cond3A_121 {
          %dma_start3A_127 = arith.constant 0 : i32
          %dma_start3A_128 = arith.constant 0 : i32
          %dma_start3A_129 = tpu.memref_slice %arg13[%rem3A_116, %dma_start3A_127, %dma_start3A_128] : memref<3x200x64xf32, #tpu.memory_space<vmem>> -> memref<1x200x64xf32, #tpu.memory_space<vmem>>
          %dma_start3A_130 = tpu.memref_squeeze %dma_start3A_129 : memref<1x200x64xf32, #tpu.memory_space<vmem>> -> memref<200x64xf32, #tpu.memory_space<vmem>>
          %dma_start3A_131 = arith.constant 0 : i32
          %dma_start3A_132 = tpu.memref_slice %arg11[%add3A_112, %dma_start3A_131] : memref<100x200xi32, #tpu.memory_space<vmem>> -> memref<1x200xi32, #tpu.memory_space<vmem>>
          %dma_start3A_133 = tpu.memref_squeeze %dma_start3A_132 : memref<1x200xi32, #tpu.memory_space<vmem>> -> memref<200xi32, #tpu.memory_space<vmem>>
          %dma_start3A_134 = arith.constant 0 : i32
          %dma_start3A_135 = arith.constant 0 : i32
          %dma_start3A_136 = tpu.memref_slice %arg2[%dma_start3A_134, %dma_start3A_135] : memref<10000x64xf32, #tpu.memory_space<hbm>> -> memref<10000x64xf32, #tpu.memory_space<hbm>>
          tpu.enqueue_indirect_dma source(%dma_start3A_136 : memref<10000x64xf32, #tpu.memory_space<hbm>>) target(%dma_start3A_130 : memref<200x64xf32, #tpu.memory_space<vmem>>) offsets(%dma_start3A_133 : memref<200xi32, #tpu.memory_space<vmem>>) semaphore(%arg20 : memref<!tpu.dma_semaphore, #tpu.memory_space<semaphore_mem>>)
        } else {
        }
        %eq3A_122 = arith.constant 1 : i32
        %eq3A_123 = arith.cmpi eq, %arg0, %eq3A_122 : i32
        %convert_element_type3A_124 = arith.extui %eq3A_123 : i1 to i32
        %cond3A_125 = arith.constant 0 : i32
        %cond3A_126 = arith.cmpi ne, %convert_element_type3A_124, %cond3A_125 : i32
        scf.if %cond3A_126 {
          %dma_start3A_127 = arith.constant 0 : i32
          %dma_start3A_128 = arith.constant 0 : i32
          %dma_start3A_129 = tpu.memref_slice %arg13[%rem3A_116, %dma_start3A_127, %dma_start3A_128] : memref<3x200x64xf32, #tpu.memory_space<vmem>> -> memref<1x200x64xf32, #tpu.memory_space<vmem>>
          %dma_start3A_130 = tpu.memref_squeeze %dma_start3A_129 : memref<1x200x64xf32, #tpu.memory_space<vmem>> -> memref<200x64xf32, #tpu.memory_space<vmem>>
          %dma_start3A_131 = arith.constant 0 : i32
          %dma_start3A_132 = tpu.memref_slice %arg11[%add3A_112, %dma_start3A_131] : memref<100x200xi32, #tpu.memory_space<vmem>> -> memref<1x200xi32, #tpu.memory_space<vmem>>
          %dma_start3A_133 = tpu.memref_squeeze %dma_start3A_132 : memref<1x200xi32, #tpu.memory_space<vmem>> -> memref<200xi32, #tpu.memory_space<vmem>>
          %dma_start3A_134 = arith.constant 0 : i32
          %dma_start3A_135 = arith.constant 0 : i32
          %dma_start3A_136 = tpu.memref_slice %arg3[%dma_start3A_134, %dma_start3A_135] : memref<10000x64xf32, #tpu.memory_space<hbm>> -> memref<10000x64xf32, #tpu.memory_space<hbm>>
          tpu.enqueue_indirect_dma source(%dma_start3A_136 : memref<10000x64xf32, #tpu.memory_space<hbm>>) target(%dma_start3A_130 : memref<200x64xf32, #tpu.memory_space<vmem>>) offsets(%dma_start3A_133 : memref<200xi32, #tpu.memory_space<vmem>>) semaphore(%arg20 : memref<!tpu.dma_semaphore, #tpu.memory_space<semaphore_mem>>)
        } else {
        }
      } else {
      }
      %dma_start3A = arith.constant 0 : i32
      %dma_start3A_96 = arith.constant 0 : i32
      %dma_start3A_97 = tpu.memref_slice %arg13[%rem3A_75, %dma_start3A, %dma_start3A_96] : memref<3x200x64xf32, #tpu.memory_space<vmem>> -> memref<1x200x64xf32, #tpu.memory_space<vmem>>
      %dma_start3A_98 = tpu.memref_squeeze %dma_start3A_97 : memref<1x200x64xf32, #tpu.memory_space<vmem>> -> memref<200x64xf32, #tpu.memory_space<vmem>>
      %dma_start3A_99 = arith.constant 0 : i32
      %dma_start3A_100 = tpu.memref_slice %arg12[%add3A_73, %dma_start3A_99] : memref<100x200xi32, #tpu.memory_space<vmem>> -> memref<1x200xi32, #tpu.memory_space<vmem>>
      %dma_start3A_101 = tpu.memref_squeeze %dma_start3A_100 : memref<1x200xi32, #tpu.memory_space<vmem>> -> memref<200xi32, #tpu.memory_space<vmem>>
      %dma_start3A_102 = arith.constant 0 : i32
      %dma_start3A_103 = arith.constant 0 : i32
      %dma_start3A_104 = tpu.memref_slice %arg17[%dma_start3A_102, %dma_start3A_103] : memref<10000x64xf32, #tpu.memory_space<vmem_shared>> -> memref<10000x64xf32, #tpu.memory_space<vmem_shared>>
      tpu.enqueue_indirect_dma source(%dma_start3A_98 : memref<200x64xf32, #tpu.memory_space<vmem>>) target(%dma_start3A_104 : memref<10000x64xf32, #tpu.memory_space<vmem_shared>>) offsets(%dma_start3A_101 : memref<200xi32, #tpu.memory_space<vmem>>) semaphore(%arg21 : memref<!tpu.dma_semaphore, #tpu.memory_space<semaphore_mem>>) {add = true}
      %rem3A_105 = arith.constant 2 : i32
      %rem3A_106 = arith.remsi %add3A_73, %rem3A_105 : i32
      %eq3A_107 = arith.cmpi eq, %rem3A_106, %arg0 : i32
      %convert_element_type3A_108 = arith.extui %eq3A_107 : i1 to i32
      %cond3A_109 = arith.constant 0 : i32
      %cond3A_110 = arith.cmpi ne, %convert_element_type3A_108, %cond3A_109 : i32
      scf.if %cond3A_110 {
        %ge3A_111 = arith.constant 2 : i32
        %ge3A_112 = arith.cmpi sge, %add3A_73, %ge3A_111 : i32
        %convert_element_type3A_113 = arith.extui %ge3A_112 : i1 to i32
        %cond3A_114 = arith.constant 0 : i32
        %cond3A_115 = arith.cmpi ne, %convert_element_type3A_113, %cond3A_114 : i32
        scf.if %cond3A_115 {
          %sub3A_122 = arith.constant 2 : i32
          %sub3A_123 = arith.subi %add3A_73, %sub3A_122 : i32
          %dma_wait3A_124 = arith.constant 0 : i32
          %dma_wait3A_125 = tpu.memref_slice %arg12[%sub3A_123, %dma_wait3A_124] : memref<100x200xi32, #tpu.memory_space<vmem>> -> memref<1x200xi32, #tpu.memory_space<vmem>>
          %dma_wait3A_126 = tpu.memref_squeeze %dma_wait3A_125 : memref<1x200xi32, #tpu.memory_space<vmem>> -> memref<200xi32, #tpu.memory_space<vmem>>
          %dma_wait3A_127 = arith.constant 0 : i32
          %dma_wait3A_128 = arith.constant 0 : i32
          %dma_wait3A_129 = tpu.memref_slice %arg18[%dma_wait3A_127, %dma_wait3A_128] : memref<10000x8xf32, #tpu.memory_space<vmem_shared>> -> memref<10000x8xf32, #tpu.memory_space<vmem_shared>>
          tpu.wait_indirect_dma semaphore(%arg22 : memref<!tpu.dma_semaphore, #tpu.memory_space<semaphore_mem>>) src(%arg14 : memref<200x8xf32, #tpu.memory_space<vmem>>) dst(%dma_wait3A_129 : memref<10000x8xf32, #tpu.memory_space<vmem_shared>>)
        } else {
        }
        %dma_start3A_116 = arith.constant 0 : i32
        %dma_start3A_117 = tpu.memref_slice %arg12[%add3A_73, %dma_start3A_116] : memref<100x200xi32, #tpu.memory_space<vmem>> -> memref<1x200xi32, #tpu.memory_space<vmem>>
        %dma_start3A_118 = tpu.memref_squeeze %dma_start3A_117 : memref<1x200xi32, #tpu.memory_space<vmem>> -> memref<200xi32, #tpu.memory_space<vmem>>
        %dma_start3A_119 = arith.constant 0 : i32
        %dma_start3A_120 = arith.constant 0 : i32
        %dma_start3A_121 = tpu.memref_slice %arg18[%dma_start3A_119, %dma_start3A_120] : memref<10000x8xf32, #tpu.memory_space<vmem_shared>> -> memref<10000x8xf32, #tpu.memory_space<vmem_shared>>
        tpu.enqueue_indirect_dma source(%arg14 : memref<200x8xf32, #tpu.memory_space<vmem>>) target(%dma_start3A_121 : memref<10000x8xf32, #tpu.memory_space<vmem_shared>>) offsets(%dma_start3A_118 : memref<200xi32, #tpu.memory_space<vmem>>) semaphore(%arg22 : memref<!tpu.dma_semaphore, #tpu.memory_space<semaphore_mem>>) {add = true}
      } else {
      }
    }
    %scan3A_26 = arith.constant 100 : i32
    %rem3A = arith.constant 98 : i32
    %rem3A_27 = arith.constant 3 : i32
    %rem3A_28 = arith.remsi %rem3A, %rem3A_27 : i32
    %dma_wait3A = arith.constant 98 : i32
    %dma_wait3A_29 = arith.constant 0 : i32
    %dma_wait3A_30 = arith.constant 0 : i32
    %dma_wait3A_31 = tpu.memref_slice %arg13[%rem3A_28, %dma_wait3A_29, %dma_wait3A_30] : memref<3x200x64xf32, #tpu.memory_space<vmem>> -> memref<1x200x64xf32, #tpu.memory_space<vmem>>
    %dma_wait3A_32 = tpu.memref_squeeze %dma_wait3A_31 : memref<1x200x64xf32, #tpu.memory_space<vmem>> -> memref<200x64xf32, #tpu.memory_space<vmem>>
    %dma_wait3A_33 = arith.constant 0 : i32
    %dma_wait3A_34 = tpu.memref_slice %arg12[%dma_wait3A, %dma_wait3A_33] : memref<100x200xi32, #tpu.memory_space<vmem>> -> memref<1x200xi32, #tpu.memory_space<vmem>>
    %dma_wait3A_35 = tpu.memref_squeeze %dma_wait3A_34 : memref<1x200xi32, #tpu.memory_space<vmem>> -> memref<200xi32, #tpu.memory_space<vmem>>
    %dma_wait3A_36 = arith.constant 0 : i32
    %dma_wait3A_37 = arith.constant 0 : i32
    %dma_wait3A_38 = tpu.memref_slice %arg17[%dma_wait3A_36, %dma_wait3A_37] : memref<10000x64xf32, #tpu.memory_space<vmem_shared>> -> memref<10000x64xf32, #tpu.memory_space<vmem_shared>>
    tpu.wait_indirect_dma semaphore(%arg21 : memref<!tpu.dma_semaphore, #tpu.memory_space<semaphore_mem>>) src(%dma_wait3A_32 : memref<200x64xf32, #tpu.memory_space<vmem>>) dst(%dma_wait3A_38 : memref<10000x64xf32, #tpu.memory_space<vmem_shared>>)
    %rem3A_39 = arith.constant 99 : i32
    %rem3A_40 = arith.constant 3 : i32
    %rem3A_41 = arith.remsi %rem3A_39, %rem3A_40 : i32
    %dma_wait3A_42 = arith.constant 99 : i32
    %dma_wait3A_43 = arith.constant 0 : i32
    %dma_wait3A_44 = arith.constant 0 : i32
    %dma_wait3A_45 = tpu.memref_slice %arg13[%rem3A_41, %dma_wait3A_43, %dma_wait3A_44] : memref<3x200x64xf32, #tpu.memory_space<vmem>> -> memref<1x200x64xf32, #tpu.memory_space<vmem>>
    %dma_wait3A_46 = tpu.memref_squeeze %dma_wait3A_45 : memref<1x200x64xf32, #tpu.memory_space<vmem>> -> memref<200x64xf32, #tpu.memory_space<vmem>>
    %dma_wait3A_47 = arith.constant 0 : i32
    %dma_wait3A_48 = tpu.memref_slice %arg12[%dma_wait3A_42, %dma_wait3A_47] : memref<100x200xi32, #tpu.memory_space<vmem>> -> memref<1x200xi32, #tpu.memory_space<vmem>>
    %dma_wait3A_49 = tpu.memref_squeeze %dma_wait3A_48 : memref<1x200xi32, #tpu.memory_space<vmem>> -> memref<200xi32, #tpu.memory_space<vmem>>
    %dma_wait3A_50 = arith.constant 0 : i32
    %dma_wait3A_51 = arith.constant 0 : i32
    %dma_wait3A_52 = tpu.memref_slice %arg17[%dma_wait3A_50, %dma_wait3A_51] : memref<10000x64xf32, #tpu.memory_space<vmem_shared>> -> memref<10000x64xf32, #tpu.memory_space<vmem_shared>>
    tpu.wait_indirect_dma semaphore(%arg21 : memref<!tpu.dma_semaphore, #tpu.memory_space<semaphore_mem>>) src(%dma_wait3A_46 : memref<200x64xf32, #tpu.memory_space<vmem>>) dst(%dma_wait3A_52 : memref<10000x64xf32, #tpu.memory_space<vmem_shared>>)
    %sub3A = arith.constant 99 : i32
    %sub3A_53 = arith.subi %sub3A, %arg0 : i32
    %div3A = arith.constant 2 : i32
    %div3A_54 = arith.divsi %sub3A_53, %div3A : i32
    %mul3A_55 = arith.constant 2 : i32
    %mul3A_56 = arith.muli %mul3A_55, %div3A_54 : i32
    %add3A = arith.addi %mul3A_56, %arg0 : i32
    %dma_wait3A_57 = arith.constant 0 : i32
    %dma_wait3A_58 = tpu.memref_slice %arg12[%add3A, %dma_wait3A_57] : memref<100x200xi32, #tpu.memory_space<vmem>> -> memref<1x200xi32, #tpu.memory_space<vmem>>
    %dma_wait3A_59 = tpu.memref_squeeze %dma_wait3A_58 : memref<1x200xi32, #tpu.memory_space<vmem>> -> memref<200xi32, #tpu.memory_space<vmem>>
    %dma_wait3A_60 = arith.constant 0 : i32
    %dma_wait3A_61 = arith.constant 0 : i32
    %dma_wait3A_62 = tpu.memref_slice %arg18[%dma_wait3A_60, %dma_wait3A_61] : memref<10000x8xf32, #tpu.memory_space<vmem_shared>> -> memref<10000x8xf32, #tpu.memory_space<vmem_shared>>
    tpu.wait_indirect_dma semaphore(%arg22 : memref<!tpu.dma_semaphore, #tpu.memory_space<semaphore_mem>>) src(%arg14 : memref<200x8xf32, #tpu.memory_space<vmem>>) dst(%dma_wait3A_62 : memref<10000x8xf32, #tpu.memory_space<vmem_shared>>)
    %barrier3A_63 = arith.constant 0 : index
    tpu.barrier barrier_id(%barrier3A_63)
    %scan3A_64 = arith.constant 0 : i32
    %scan3A_65 = arith.constant 8 : i32
    %scan3A_66 = arith.addi %scan3A_64, %scan3A_65 : i32
    %scan3A_67 = arith.constant 1 : i32
    scf.for %scan3A_69 = %scan3A_64 to %scan3A_66 step %scan3A_67  : i32 {
      %mul3A_70 = arith.constant 1 : i32
      %mul3A_71 = arith.muli %scan3A_69, %mul3A_70 : i32
      %add3A_72 = arith.constant 0 : i32
      %add3A_73 = arith.addi %add3A_72, %mul3A_71 : i32
      %mul3A_74 = arith.constant 16 : i32
      %mul3A_75 = arith.muli %add3A_73, %mul3A_74 : i32
      %add3A_76 = arith.addi %mul3A_75, %arg1 : i32
      %lt3A = arith.constant 125 : i32
      %lt3A_77 = arith.cmpi slt, %add3A_76, %lt3A : i32
      %convert_element_type3A_78 = arith.extui %lt3A_77 : i1 to i32
      %cond3A_79 = arith.constant 0 : i32
      %cond3A_80 = arith.cmpi ne, %convert_element_type3A_78, %cond3A_79 : i32
      scf.if %cond3A_80 {
        %mul3A_81 = arith.constant 80 : i32
        %mul3A_82 = arith.muli %add3A_76, %mul3A_81 : i32
        "tpu.region"() ({
          %run_scoped3A = tpu.sem_alloc : memref<!tpu.dma_semaphore, #tpu.memory_space<semaphore_mem>>
          %dma_start3A = arith.constant 0 : i32
          %dma_start3A_89 = tpu.memref_slice %arg17[%mul3A_82, %dma_start3A] : memref<10000x64xf32, #tpu.memory_space<vmem_shared>> -> memref<80x64xf32, #tpu.memory_space<vmem_shared>>
          %dma_start3A_90 = arith.constant 0 : i32
          %dma_start3A_91 = tpu.memref_slice %arg17[%mul3A_82, %dma_start3A_90] : memref<10000x64xf32, #tpu.memory_space<vmem_shared>> -> memref<80x64xf32, #tpu.memory_space<vmem_shared>>
          tpu.enqueue_dma source(%dma_start3A_91 : memref<80x64xf32, #tpu.memory_space<vmem_shared>>) target(%arg15 : memref<80x64xf32, #tpu.memory_space<vmem>>) target_semaphore(%run_scoped3A : memref<!tpu.dma_semaphore, #tpu.memory_space<semaphore_mem>>)
          %dma_wait3A_92 = arith.constant 0 : i32
          %dma_wait3A_93 = tpu.memref_slice %arg17[%mul3A_82, %dma_wait3A_92] : memref<10000x64xf32, #tpu.memory_space<vmem_shared>> -> memref<80x64xf32, #tpu.memory_space<vmem_shared>>
          %dma_wait3A_94 = arith.constant 0 : i32
          %dma_wait3A_95 = tpu.memref_slice %arg17[%mul3A_82, %dma_wait3A_94] : memref<10000x64xf32, #tpu.memory_space<vmem_shared>> -> memref<80x64xf32, #tpu.memory_space<vmem_shared>>
          tpu.wait_dma2 semaphore(%run_scoped3A : memref<!tpu.dma_semaphore, #tpu.memory_space<semaphore_mem>>) src(%dma_wait3A_95 : memref<80x64xf32, #tpu.memory_space<vmem_shared>>) dst(%arg15 : memref<80x64xf32, #tpu.memory_space<vmem>>)
          tpu.yield
        }) : () -> ()
        %mul3A_83 = arith.constant 10000 : i32
        %mul3A_84 = arith.muli %arg0, %mul3A_83 : i32
        %add3A_85 = arith.addi %mul3A_84, %mul3A_82 : i32
        "tpu.region"() ({
          %run_scoped3A = tpu.sem_alloc : memref<!tpu.dma_semaphore, #tpu.memory_space<semaphore_mem>>
          %dma_start3A = arith.constant 0 : i32
          %dma_start3A_89 = tpu.memref_slice %arg9[%add3A_85, %dma_start3A] : memref<20000x64xf32, #tpu.memory_space<hbm>> -> memref<80x64xf32, #tpu.memory_space<hbm>>
          %dma_start3A_90 = arith.constant 0 : i32
          %dma_start3A_91 = tpu.memref_slice %arg9[%add3A_85, %dma_start3A_90] : memref<20000x64xf32, #tpu.memory_space<hbm>> -> memref<80x64xf32, #tpu.memory_space<hbm>>
          tpu.enqueue_dma source(%arg15 : memref<80x64xf32, #tpu.memory_space<vmem>>) target(%dma_start3A_91 : memref<80x64xf32, #tpu.memory_space<hbm>>) target_semaphore(%run_scoped3A : memref<!tpu.dma_semaphore, #tpu.memory_space<semaphore_mem>>)
          %dma_wait3A_92 = arith.constant 0 : i32
          %dma_wait3A_93 = tpu.memref_slice %arg9[%add3A_85, %dma_wait3A_92] : memref<20000x64xf32, #tpu.memory_space<hbm>> -> memref<80x64xf32, #tpu.memory_space<hbm>>
          %dma_wait3A_94 = arith.constant 0 : i32
          %dma_wait3A_95 = tpu.memref_slice %arg9[%add3A_85, %dma_wait3A_94] : memref<20000x64xf32, #tpu.memory_space<hbm>> -> memref<80x64xf32, #tpu.memory_space<hbm>>
          tpu.wait_dma2 semaphore(%run_scoped3A : memref<!tpu.dma_semaphore, #tpu.memory_space<semaphore_mem>>) src(%arg15 : memref<80x64xf32, #tpu.memory_space<vmem>>) dst(%dma_wait3A_95 : memref<80x64xf32, #tpu.memory_space<hbm>>)
          tpu.yield
        }) : () -> ()
        "tpu.region"() ({
          %run_scoped3A = tpu.sem_alloc : memref<!tpu.dma_semaphore, #tpu.memory_space<semaphore_mem>>
          %dma_start3A = arith.constant 0 : i32
          %dma_start3A_89 = tpu.memref_slice %arg18[%mul3A_82, %dma_start3A] : memref<10000x8xf32, #tpu.memory_space<vmem_shared>> -> memref<80x8xf32, #tpu.memory_space<vmem_shared>>
          %dma_start3A_90 = arith.constant 0 : i32
          %dma_start3A_91 = tpu.memref_slice %arg18[%mul3A_82, %dma_start3A_90] : memref<10000x8xf32, #tpu.memory_space<vmem_shared>> -> memref<80x8xf32, #tpu.memory_space<vmem_shared>>
          tpu.enqueue_dma source(%dma_start3A_91 : memref<80x8xf32, #tpu.memory_space<vmem_shared>>) target(%arg16 : memref<80x8xf32, #tpu.memory_space<vmem>>) target_semaphore(%run_scoped3A : memref<!tpu.dma_semaphore, #tpu.memory_space<semaphore_mem>>)
          %dma_wait3A_92 = arith.constant 0 : i32
          %dma_wait3A_93 = tpu.memref_slice %arg18[%mul3A_82, %dma_wait3A_92] : memref<10000x8xf32, #tpu.memory_space<vmem_shared>> -> memref<80x8xf32, #tpu.memory_space<vmem_shared>>
          %dma_wait3A_94 = arith.constant 0 : i32
          %dma_wait3A_95 = tpu.memref_slice %arg18[%mul3A_82, %dma_wait3A_94] : memref<10000x8xf32, #tpu.memory_space<vmem_shared>> -> memref<80x8xf32, #tpu.memory_space<vmem_shared>>
          tpu.wait_dma2 semaphore(%run_scoped3A : memref<!tpu.dma_semaphore, #tpu.memory_space<semaphore_mem>>) src(%dma_wait3A_95 : memref<80x8xf32, #tpu.memory_space<vmem_shared>>) dst(%arg16 : memref<80x8xf32, #tpu.memory_space<vmem>>)
          tpu.yield
        }) : () -> ()
        %mul3A_86 = arith.constant 10000 : i32
        %mul3A_87 = arith.muli %arg0, %mul3A_86 : i32
        %add3A_88 = arith.addi %mul3A_87, %mul3A_82 : i32
        "tpu.region"() ({
          %run_scoped3A = tpu.sem_alloc : memref<!tpu.dma_semaphore, #tpu.memory_space<semaphore_mem>>
          %dma_start3A = arith.constant 0 : i32
          %dma_start3A_89 = tpu.memref_slice %arg10[%add3A_88, %dma_start3A] : memref<20000x8xf32, #tpu.memory_space<hbm>> -> memref<80x8xf32, #tpu.memory_space<hbm>>
          %dma_start3A_90 = arith.constant 0 : i32
          %dma_start3A_91 = tpu.memref_slice %arg10[%add3A_88, %dma_start3A_90] : memref<20000x8xf32, #tpu.memory_space<hbm>> -> memref<80x8xf32, #tpu.memory_space<hbm>>
          tpu.enqueue_dma source(%arg16 : memref<80x8xf32, #tpu.memory_space<vmem>>) target(%dma_start3A_91 : memref<80x8xf32, #tpu.memory_space<hbm>>) target_semaphore(%run_scoped3A : memref<!tpu.dma_semaphore, #tpu.memory_space<semaphore_mem>>)
          %dma_wait3A_92 = arith.constant 0 : i32
          %dma_wait3A_93 = tpu.memref_slice %arg10[%add3A_88, %dma_wait3A_92] : memref<20000x8xf32, #tpu.memory_space<hbm>> -> memref<80x8xf32, #tpu.memory_space<hbm>>
          %dma_wait3A_94 = arith.constant 0 : i32
          %dma_wait3A_95 = tpu.memref_slice %arg10[%add3A_88, %dma_wait3A_94] : memref<20000x8xf32, #tpu.memory_space<hbm>> -> memref<80x8xf32, #tpu.memory_space<hbm>>
          tpu.wait_dma2 semaphore(%run_scoped3A : memref<!tpu.dma_semaphore, #tpu.memory_space<semaphore_mem>>) src(%arg16 : memref<80x8xf32, #tpu.memory_space<vmem>>) dst(%dma_wait3A_95 : memref<80x8xf32, #tpu.memory_space<hbm>>)
          tpu.yield
        }) : () -> ()
      } else {
      }
    }
    %scan3A_68 = arith.constant 8 : i32
    return
  }
}

#map = affine_map<(d0, d1) -> (0, 0)>
#map1 = affine_map<(d0, d1) -> (0)>
module attributes {stable_mosaic.version = 14 : i64} {
  func.func @_sc_edge(%arg0: i32, %arg1: i32, %arg2: memref<320000x16xf32, #tpu.memory_space<hbm>>, %arg3: memref<320000xi32, #tpu.memory_space<hbm>>, %arg4: memref<80x16xf32, #tpu.memory_space<hbm>>, %arg5: memref<20000x16xf32, #tpu.memory_space<hbm>>, %arg6: memref<50x200xi32, #tpu.memory_space<vmem>>, %arg7: memref<2x200x16xf32, #tpu.memory_space<vmem>>, %arg8: memref<80x16xf32, #tpu.memory_space<vmem>>, %arg9: memref<10000x16xf32, #tpu.memory_space<vmem_shared>>, %arg10: memref<!tpu.dma_semaphore, #tpu.memory_space<semaphore_mem>>, %arg11: memref<!tpu.dma_semaphore, #tpu.memory_space<semaphore_mem>>, %arg12: memref<!tpu.dma_semaphore, #tpu.memory_space<semaphore_mem>>) attributes {dimension_semantics = [#tpu.dimension_semantics<core_parallel>, #tpu.dimension_semantics<subcore_parallel>], iteration_bounds = array<i64: 2, 16>, scalar_prefetch = 0 : i64, scratch_operands = 7 : i64, tpu.core_type = #tpu.core_type<sc_vector_subcore>, window_params = [{transform_indices = #map}, {transform_indices = #map1}, {transform_indices = #map}, {transform_indices = #map}]} {
    "tpu.region"() ({
      %run_scoped3A = tpu.sem_alloc : memref<!tpu.dma_semaphore, #tpu.memory_space<semaphore_mem>>
      tpu.enqueue_dma source(%arg4 : memref<80x16xf32, #tpu.memory_space<hbm>>) target(%arg8 : memref<80x16xf32, #tpu.memory_space<vmem>>) target_semaphore(%run_scoped3A : memref<!tpu.dma_semaphore, #tpu.memory_space<semaphore_mem>>)
      tpu.wait_dma2 semaphore(%run_scoped3A : memref<!tpu.dma_semaphore, #tpu.memory_space<semaphore_mem>>) src(%arg4 : memref<80x16xf32, #tpu.memory_space<hbm>>) dst(%arg8 : memref<80x16xf32, #tpu.memory_space<vmem>>)
      tpu.yield
    }) : () -> ()
    %scan3A = arith.constant 0 : i32
    %scan3A_0 = arith.constant 8 : i32
    %scan3A_1 = arith.addi %scan3A, %scan3A_0 : i32
    %scan3A_2 = arith.constant 1 : i32
    scf.for %scan3A_59 = %scan3A to %scan3A_1 step %scan3A_2  : i32 {
      %mul3A_60 = arith.constant 1 : i32
      %mul3A_61 = arith.muli %scan3A_59, %mul3A_60 : i32
      %add3A_62 = arith.constant 0 : i32
      %add3A_63 = arith.addi %add3A_62, %mul3A_61 : i32
      %mul3A_64 = arith.constant 16 : i32
      %mul3A_65 = arith.muli %add3A_63, %mul3A_64 : i32
      %add3A_66 = arith.addi %mul3A_65, %arg1 : i32
      %lt3A = arith.constant 125 : i32
      %lt3A_67 = arith.cmpi slt, %add3A_66, %lt3A : i32
      %convert_element_type3A = arith.extui %lt3A_67 : i1 to i32
      %cond3A = arith.constant 0 : i32
      %cond3A_68 = arith.cmpi ne, %convert_element_type3A, %cond3A : i32
      scf.if %cond3A_68 {
        %mul3A_69 = arith.constant 80 : i32
        %mul3A_70 = arith.muli %add3A_66, %mul3A_69 : i32
        "tpu.region"() ({
          %run_scoped3A = tpu.sem_alloc : memref<!tpu.dma_semaphore, #tpu.memory_space<semaphore_mem>>
          %dma_start3A_71 = arith.constant 0 : i32
          %dma_start3A_72 = tpu.memref_slice %arg9[%mul3A_70, %dma_start3A_71] : memref<10000x16xf32, #tpu.memory_space<vmem_shared>> -> memref<80x16xf32, #tpu.memory_space<vmem_shared>>
          %dma_start3A_73 = arith.constant 0 : i32
          %dma_start3A_74 = tpu.memref_slice %arg9[%mul3A_70, %dma_start3A_73] : memref<10000x16xf32, #tpu.memory_space<vmem_shared>> -> memref<80x16xf32, #tpu.memory_space<vmem_shared>>
          tpu.enqueue_dma source(%arg8 : memref<80x16xf32, #tpu.memory_space<vmem>>) target(%dma_start3A_74 : memref<80x16xf32, #tpu.memory_space<vmem_shared>>) target_semaphore(%run_scoped3A : memref<!tpu.dma_semaphore, #tpu.memory_space<semaphore_mem>>)
          %dma_wait3A_75 = arith.constant 0 : i32
          %dma_wait3A_76 = tpu.memref_slice %arg9[%mul3A_70, %dma_wait3A_75] : memref<10000x16xf32, #tpu.memory_space<vmem_shared>> -> memref<80x16xf32, #tpu.memory_space<vmem_shared>>
          %dma_wait3A_77 = arith.constant 0 : i32
          %dma_wait3A_78 = tpu.memref_slice %arg9[%mul3A_70, %dma_wait3A_77] : memref<10000x16xf32, #tpu.memory_space<vmem_shared>> -> memref<80x16xf32, #tpu.memory_space<vmem_shared>>
          tpu.wait_dma2 semaphore(%run_scoped3A : memref<!tpu.dma_semaphore, #tpu.memory_space<semaphore_mem>>) src(%arg8 : memref<80x16xf32, #tpu.memory_space<vmem>>) dst(%dma_wait3A_78 : memref<80x16xf32, #tpu.memory_space<vmem_shared>>)
          tpu.yield
        }) : () -> ()
      } else {
      }
    }
    %scan3A_3 = arith.constant 8 : i32
    %barrier3A = arith.constant 0 : index
    tpu.barrier barrier_id(%barrier3A)
    %mul3A = arith.constant 20000 : i32
    %mul3A_4 = arith.muli %arg1, %mul3A : i32
    %scan3A_5 = arith.constant 0 : i32
    %scan3A_6 = arith.constant 50 : i32
    %scan3A_7 = arith.addi %scan3A_5, %scan3A_6 : i32
    %scan3A_8 = arith.constant 1 : i32
    scf.for %scan3A_59 = %scan3A_5 to %scan3A_7 step %scan3A_8  : i32 {
      %mul3A_60 = arith.constant 1 : i32
      %mul3A_61 = arith.muli %scan3A_59, %mul3A_60 : i32
      %add3A_62 = arith.constant 0 : i32
      %add3A_63 = arith.addi %add3A_62, %mul3A_61 : i32
      %mul3A_64 = arith.constant 2 : i32
      %mul3A_65 = arith.muli %mul3A_64, %add3A_63 : i32
      %add3A_66 = arith.addi %mul3A_65, %arg0 : i32
      %lt3A = arith.constant 100 : i32
      %lt3A_67 = arith.cmpi slt, %add3A_66, %lt3A : i32
      %convert_element_type3A = arith.extui %lt3A_67 : i1 to i32
      %cond3A = arith.constant 0 : i32
      %cond3A_68 = arith.cmpi ne, %convert_element_type3A, %cond3A : i32
      scf.if %cond3A_68 {
        %mul3A_69 = arith.constant 200 : i32
        %mul3A_70 = arith.muli %add3A_66, %mul3A_69 : i32
        %add3A_71 = arith.addi %mul3A_4, %mul3A_70 : i32
        %dma_start3A_72 = arith.constant 0 : i32
        %dma_start3A_73 = tpu.memref_slice %arg6[%add3A_63, %dma_start3A_72] : memref<50x200xi32, #tpu.memory_space<vmem>> -> memref<1x200xi32, #tpu.memory_space<vmem>>
        %dma_start3A_74 = tpu.memref_squeeze %dma_start3A_73 : memref<1x200xi32, #tpu.memory_space<vmem>> -> memref<200xi32, #tpu.memory_space<vmem>>
        %dma_start3A_75 = tpu.memref_slice %arg3[%add3A_71] : memref<320000xi32, #tpu.memory_space<hbm>> -> memref<200xi32, #tpu.memory_space<hbm>>
        %dma_start3A_76 = arith.constant 0 : i32
        %dma_start3A_77 = tpu.memref_slice %arg6[%add3A_63, %dma_start3A_76] : memref<50x200xi32, #tpu.memory_space<vmem>> -> memref<1x200xi32, #tpu.memory_space<vmem>>
        %dma_start3A_78 = tpu.memref_squeeze %dma_start3A_77 : memref<1x200xi32, #tpu.memory_space<vmem>> -> memref<200xi32, #tpu.memory_space<vmem>>
        %dma_start3A_79 = tpu.memref_slice %arg3[%add3A_71] : memref<320000xi32, #tpu.memory_space<hbm>> -> memref<200xi32, #tpu.memory_space<hbm>>
        tpu.enqueue_dma source(%dma_start3A_79 : memref<200xi32, #tpu.memory_space<hbm>>) target(%dma_start3A_78 : memref<200xi32, #tpu.memory_space<vmem>>) target_semaphore(%arg10 : memref<!tpu.dma_semaphore, #tpu.memory_space<semaphore_mem>>)
      } else {
      }
    }
    %scan3A_9 = arith.constant 50 : i32
    %scan3A_10 = arith.constant 0 : i32
    %scan3A_11 = arith.constant 50 : i32
    %scan3A_12 = arith.addi %scan3A_10, %scan3A_11 : i32
    %scan3A_13 = arith.constant 1 : i32
    scf.for %scan3A_59 = %scan3A_10 to %scan3A_12 step %scan3A_13  : i32 {
      %mul3A_60 = arith.constant 1 : i32
      %mul3A_61 = arith.muli %scan3A_59, %mul3A_60 : i32
      %add3A_62 = arith.constant 0 : i32
      %add3A_63 = arith.addi %add3A_62, %mul3A_61 : i32
      %mul3A_64 = arith.constant 2 : i32
      %mul3A_65 = arith.muli %mul3A_64, %add3A_63 : i32
      %add3A_66 = arith.addi %mul3A_65, %arg0 : i32
      %lt3A = arith.constant 100 : i32
      %lt3A_67 = arith.cmpi slt, %add3A_66, %lt3A : i32
      %convert_element_type3A = arith.extui %lt3A_67 : i1 to i32
      %cond3A = arith.constant 0 : i32
      %cond3A_68 = arith.cmpi ne, %convert_element_type3A, %cond3A : i32
      scf.if %cond3A_68 {
        %mul3A_69 = arith.constant 200 : i32
        %mul3A_70 = arith.muli %add3A_66, %mul3A_69 : i32
        %add3A_71 = arith.addi %mul3A_4, %mul3A_70 : i32
        %dma_wait3A_72 = arith.constant 0 : i32
        %dma_wait3A_73 = tpu.memref_slice %arg6[%add3A_63, %dma_wait3A_72] : memref<50x200xi32, #tpu.memory_space<vmem>> -> memref<1x200xi32, #tpu.memory_space<vmem>>
        %dma_wait3A_74 = tpu.memref_squeeze %dma_wait3A_73 : memref<1x200xi32, #tpu.memory_space<vmem>> -> memref<200xi32, #tpu.memory_space<vmem>>
        %dma_wait3A_75 = tpu.memref_slice %arg3[%add3A_71] : memref<320000xi32, #tpu.memory_space<hbm>> -> memref<200xi32, #tpu.memory_space<hbm>>
        %dma_wait3A_76 = arith.constant 0 : i32
        %dma_wait3A_77 = tpu.memref_slice %arg6[%add3A_63, %dma_wait3A_76] : memref<50x200xi32, #tpu.memory_space<vmem>> -> memref<1x200xi32, #tpu.memory_space<vmem>>
        %dma_wait3A_78 = tpu.memref_squeeze %dma_wait3A_77 : memref<1x200xi32, #tpu.memory_space<vmem>> -> memref<200xi32, #tpu.memory_space<vmem>>
        %dma_wait3A_79 = tpu.memref_slice %arg3[%add3A_71] : memref<320000xi32, #tpu.memory_space<hbm>> -> memref<200xi32, #tpu.memory_space<hbm>>
        tpu.wait_dma2 semaphore(%arg10 : memref<!tpu.dma_semaphore, #tpu.memory_space<semaphore_mem>>) src(%dma_wait3A_79 : memref<200xi32, #tpu.memory_space<hbm>>) dst(%dma_wait3A_78 : memref<200xi32, #tpu.memory_space<vmem>>)
      } else {
      }
    }
    %scan3A_14 = arith.constant 50 : i32
    %eq3A = arith.constant 1 : i32
    %eq3A_15 = arith.cmpi eq, %arg0, %eq3A : i32
    %jit3A = arith.constant 0 : i32
    %jit3A_16 = arith.constant 0 : i32
    %select_n3A = arith.select %eq3A_15, %jit3A, %jit3A_16 : i32
    %sub3A = arith.constant 50 : i32
    %sub3A_17 = arith.subi %sub3A, %select_n3A : i32
    %add3A = arith.constant 0 : i32
    %add3A_18 = arith.addi %add3A, %arg0 : i32
    %mul3A_19 = arith.constant 200 : i32
    %mul3A_20 = arith.muli %add3A_18, %mul3A_19 : i32
    %add3A_21 = arith.addi %mul3A_4, %mul3A_20 : i32
    %dma_start3A = arith.constant 0 : i32
    %dma_start3A_22 = arith.constant 0 : i32
    %dma_start3A_23 = arith.constant 0 : i32
    %dma_start3A_24 = tpu.memref_slice %arg7[%dma_start3A, %dma_start3A_22, %dma_start3A_23] : memref<2x200x16xf32, #tpu.memory_space<vmem>> -> memref<1x200x16xf32, #tpu.memory_space<vmem>>
    %dma_start3A_25 = tpu.memref_squeeze %dma_start3A_24 : memref<1x200x16xf32, #tpu.memory_space<vmem>> -> memref<200x16xf32, #tpu.memory_space<vmem>>
    %dma_start3A_26 = arith.constant 0 : i32
    %dma_start3A_27 = tpu.memref_slice %arg2[%add3A_21, %dma_start3A_26] : memref<320000x16xf32, #tpu.memory_space<hbm>> -> memref<200x16xf32, #tpu.memory_space<hbm>>
    %dma_start3A_28 = arith.constant 0 : i32
    %dma_start3A_29 = arith.constant 0 : i32
    %dma_start3A_30 = tpu.memref_slice %arg7[%dma_start3A, %dma_start3A_28, %dma_start3A_29] : memref<2x200x16xf32, #tpu.memory_space<vmem>> -> memref<1x200x16xf32, #tpu.memory_space<vmem>>
    %dma_start3A_31 = tpu.memref_squeeze %dma_start3A_30 : memref<1x200x16xf32, #tpu.memory_space<vmem>> -> memref<200x16xf32, #tpu.memory_space<vmem>>
    %dma_start3A_32 = arith.constant 0 : i32
    %dma_start3A_33 = tpu.memref_slice %arg2[%add3A_21, %dma_start3A_32] : memref<320000x16xf32, #tpu.memory_space<hbm>> -> memref<200x16xf32, #tpu.memory_space<hbm>>
    tpu.enqueue_dma source(%dma_start3A_33 : memref<200x16xf32, #tpu.memory_space<hbm>>) target(%dma_start3A_31 : memref<200x16xf32, #tpu.memory_space<vmem>>) target_semaphore(%arg11 : memref<!tpu.dma_semaphore, #tpu.memory_space<semaphore_mem>>)
    %scan3A_34 = arith.constant 0 : i32
    %scan3A_35 = arith.constant 50 : i32
    %scan3A_36 = arith.addi %scan3A_34, %scan3A_35 : i32
    %scan3A_37 = arith.constant 1 : i32
    scf.for %scan3A_59 = %scan3A_34 to %scan3A_36 step %scan3A_37  : i32 {
      %mul3A_60 = arith.constant 1 : i32
      %mul3A_61 = arith.muli %scan3A_59, %mul3A_60 : i32
      %add3A_62 = arith.constant 0 : i32
      %add3A_63 = arith.addi %add3A_62, %mul3A_61 : i32
      %mul3A_64 = arith.constant 2 : i32
      %mul3A_65 = arith.muli %mul3A_64, %add3A_63 : i32
      %add3A_66 = arith.addi %mul3A_65, %arg0 : i32
      %lt3A = arith.constant 100 : i32
      %lt3A_67 = arith.cmpi slt, %add3A_66, %lt3A : i32
      %convert_element_type3A = arith.extui %lt3A_67 : i1 to i32
      %cond3A = arith.constant 0 : i32
      %cond3A_68 = arith.cmpi ne, %convert_element_type3A, %cond3A : i32
      scf.if %cond3A_68 {
        %rem3A_69 = arith.constant 2 : i32
        %rem3A_70 = arith.remsi %add3A_63, %rem3A_69 : i32
        %mul3A_71 = arith.constant 2 : i32
        %mul3A_72 = arith.muli %mul3A_71, %add3A_63 : i32
        %add3A_73 = arith.addi %mul3A_72, %arg0 : i32
        %mul3A_74 = arith.constant 200 : i32
        %mul3A_75 = arith.muli %add3A_73, %mul3A_74 : i32
        %add3A_76 = arith.addi %mul3A_4, %mul3A_75 : i32
        %dma_wait3A_77 = arith.constant 0 : i32
        %dma_wait3A_78 = arith.constant 0 : i32
        %dma_wait3A_79 = tpu.memref_slice %arg7[%rem3A_70, %dma_wait3A_77, %dma_wait3A_78] : memref<2x200x16xf32, #tpu.memory_space<vmem>> -> memref<1x200x16xf32, #tpu.memory_space<vmem>>
        %dma_wait3A_80 = tpu.memref_squeeze %dma_wait3A_79 : memref<1x200x16xf32, #tpu.memory_space<vmem>> -> memref<200x16xf32, #tpu.memory_space<vmem>>
        %dma_wait3A_81 = arith.constant 0 : i32
        %dma_wait3A_82 = tpu.memref_slice %arg2[%add3A_76, %dma_wait3A_81] : memref<320000x16xf32, #tpu.memory_space<hbm>> -> memref<200x16xf32, #tpu.memory_space<hbm>>
        %dma_wait3A_83 = arith.constant 0 : i32
        %dma_wait3A_84 = arith.constant 0 : i32
        %dma_wait3A_85 = tpu.memref_slice %arg7[%rem3A_70, %dma_wait3A_83, %dma_wait3A_84] : memref<2x200x16xf32, #tpu.memory_space<vmem>> -> memref<1x200x16xf32, #tpu.memory_space<vmem>>
        %dma_wait3A_86 = tpu.memref_squeeze %dma_wait3A_85 : memref<1x200x16xf32, #tpu.memory_space<vmem>> -> memref<200x16xf32, #tpu.memory_space<vmem>>
        %dma_wait3A_87 = arith.constant 0 : i32
        %dma_wait3A_88 = tpu.memref_slice %arg2[%add3A_76, %dma_wait3A_87] : memref<320000x16xf32, #tpu.memory_space<hbm>> -> memref<200x16xf32, #tpu.memory_space<hbm>>
        tpu.wait_dma2 semaphore(%arg11 : memref<!tpu.dma_semaphore, #tpu.memory_space<semaphore_mem>>) src(%dma_wait3A_88 : memref<200x16xf32, #tpu.memory_space<hbm>>) dst(%dma_wait3A_86 : memref<200x16xf32, #tpu.memory_space<vmem>>)
        %ge3A = arith.constant 1 : i32
        %ge3A_89 = arith.cmpi sge, %add3A_63, %ge3A : i32
        %convert_element_type3A_90 = arith.extui %ge3A_89 : i1 to i32
        %cond3A_91 = arith.constant 0 : i32
        %cond3A_92 = arith.cmpi ne, %convert_element_type3A_90, %cond3A_91 : i32
        scf.if %cond3A_92 {
          %sub3A_113 = arith.constant 1 : i32
          %sub3A_114 = arith.subi %add3A_63, %sub3A_113 : i32
          %sub3A_115 = arith.constant 1 : i32
          %sub3A_116 = arith.subi %sub3A_115, %rem3A_70 : i32
          %dma_wait3A_117 = arith.constant 0 : i32
          %dma_wait3A_118 = arith.constant 0 : i32
          %dma_wait3A_119 = tpu.memref_slice %arg7[%sub3A_116, %dma_wait3A_117, %dma_wait3A_118] : memref<2x200x16xf32, #tpu.memory_space<vmem>> -> memref<1x200x16xf32, #tpu.memory_space<vmem>>
          %dma_wait3A_120 = tpu.memref_squeeze %dma_wait3A_119 : memref<1x200x16xf32, #tpu.memory_space<vmem>> -> memref<200x16xf32, #tpu.memory_space<vmem>>
          %dma_wait3A_121 = arith.constant 0 : i32
          %dma_wait3A_122 = tpu.memref_slice %arg6[%sub3A_114, %dma_wait3A_121] : memref<50x200xi32, #tpu.memory_space<vmem>> -> memref<1x200xi32, #tpu.memory_space<vmem>>
          %dma_wait3A_123 = tpu.memref_squeeze %dma_wait3A_122 : memref<1x200xi32, #tpu.memory_space<vmem>> -> memref<200xi32, #tpu.memory_space<vmem>>
          %dma_wait3A_124 = arith.constant 0 : i32
          %dma_wait3A_125 = arith.constant 0 : i32
          %dma_wait3A_126 = tpu.memref_slice %arg9[%dma_wait3A_124, %dma_wait3A_125] : memref<10000x16xf32, #tpu.memory_space<vmem_shared>> -> memref<10000x16xf32, #tpu.memory_space<vmem_shared>>
          tpu.wait_indirect_dma semaphore(%arg12 : memref<!tpu.dma_semaphore, #tpu.memory_space<semaphore_mem>>) src(%dma_wait3A_120 : memref<200x16xf32, #tpu.memory_space<vmem>>) dst(%dma_wait3A_126 : memref<10000x16xf32, #tpu.memory_space<vmem_shared>>)
        } else {
        }
        %add3A_93 = arith.constant 1 : i32
        %add3A_94 = arith.addi %add3A_63, %add3A_93 : i32
        %mul3A_95 = arith.constant 2 : i32
        %mul3A_96 = arith.muli %mul3A_95, %add3A_94 : i32
        %add3A_97 = arith.addi %mul3A_96, %arg0 : i32
        %lt3A_98 = arith.constant 100 : i32
        %lt3A_99 = arith.cmpi slt, %add3A_97, %lt3A_98 : i32
        %convert_element_type3A_100 = arith.extui %lt3A_99 : i1 to i32
        %cond3A_101 = arith.constant 0 : i32
        %cond3A_102 = arith.cmpi ne, %convert_element_type3A_100, %cond3A_101 : i32
        scf.if %cond3A_102 {
          %add3A_113 = arith.constant 1 : i32
          %add3A_114 = arith.addi %add3A_63, %add3A_113 : i32
          %sub3A_115 = arith.constant 1 : i32
          %sub3A_116 = arith.subi %sub3A_115, %rem3A_70 : i32
          %mul3A_117 = arith.constant 2 : i32
          %mul3A_118 = arith.muli %mul3A_117, %add3A_114 : i32
          %add3A_119 = arith.addi %mul3A_118, %arg0 : i32
          %mul3A_120 = arith.constant 200 : i32
          %mul3A_121 = arith.muli %add3A_119, %mul3A_120 : i32
          %add3A_122 = arith.addi %mul3A_4, %mul3A_121 : i32
          %dma_start3A_123 = arith.constant 0 : i32
          %dma_start3A_124 = arith.constant 0 : i32
          %dma_start3A_125 = tpu.memref_slice %arg7[%sub3A_116, %dma_start3A_123, %dma_start3A_124] : memref<2x200x16xf32, #tpu.memory_space<vmem>> -> memref<1x200x16xf32, #tpu.memory_space<vmem>>
          %dma_start3A_126 = tpu.memref_squeeze %dma_start3A_125 : memref<1x200x16xf32, #tpu.memory_space<vmem>> -> memref<200x16xf32, #tpu.memory_space<vmem>>
          %dma_start3A_127 = arith.constant 0 : i32
          %dma_start3A_128 = tpu.memref_slice %arg2[%add3A_122, %dma_start3A_127] : memref<320000x16xf32, #tpu.memory_space<hbm>> -> memref<200x16xf32, #tpu.memory_space<hbm>>
          %dma_start3A_129 = arith.constant 0 : i32
          %dma_start3A_130 = arith.constant 0 : i32
          %dma_start3A_131 = tpu.memref_slice %arg7[%sub3A_116, %dma_start3A_129, %dma_start3A_130] : memref<2x200x16xf32, #tpu.memory_space<vmem>> -> memref<1x200x16xf32, #tpu.memory_space<vmem>>
          %dma_start3A_132 = tpu.memref_squeeze %dma_start3A_131 : memref<1x200x16xf32, #tpu.memory_space<vmem>> -> memref<200x16xf32, #tpu.memory_space<vmem>>
          %dma_start3A_133 = arith.constant 0 : i32
          %dma_start3A_134 = tpu.memref_slice %arg2[%add3A_122, %dma_start3A_133] : memref<320000x16xf32, #tpu.memory_space<hbm>> -> memref<200x16xf32, #tpu.memory_space<hbm>>
          tpu.enqueue_dma source(%dma_start3A_134 : memref<200x16xf32, #tpu.memory_space<hbm>>) target(%dma_start3A_132 : memref<200x16xf32, #tpu.memory_space<vmem>>) target_semaphore(%arg11 : memref<!tpu.dma_semaphore, #tpu.memory_space<semaphore_mem>>)
        } else {
        }
        %dma_start3A_103 = arith.constant 0 : i32
        %dma_start3A_104 = arith.constant 0 : i32
        %dma_start3A_105 = tpu.memref_slice %arg7[%rem3A_70, %dma_start3A_103, %dma_start3A_104] : memref<2x200x16xf32, #tpu.memory_space<vmem>> -> memref<1x200x16xf32, #tpu.memory_space<vmem>>
        %dma_start3A_106 = tpu.memref_squeeze %dma_start3A_105 : memref<1x200x16xf32, #tpu.memory_space<vmem>> -> memref<200x16xf32, #tpu.memory_space<vmem>>
        %dma_start3A_107 = arith.constant 0 : i32
        %dma_start3A_108 = tpu.memref_slice %arg6[%add3A_63, %dma_start3A_107] : memref<50x200xi32, #tpu.memory_space<vmem>> -> memref<1x200xi32, #tpu.memory_space<vmem>>
        %dma_start3A_109 = tpu.memref_squeeze %dma_start3A_108 : memref<1x200xi32, #tpu.memory_space<vmem>> -> memref<200xi32, #tpu.memory_space<vmem>>
        %dma_start3A_110 = arith.constant 0 : i32
        %dma_start3A_111 = arith.constant 0 : i32
        %dma_start3A_112 = tpu.memref_slice %arg9[%dma_start3A_110, %dma_start3A_111] : memref<10000x16xf32, #tpu.memory_space<vmem_shared>> -> memref<10000x16xf32, #tpu.memory_space<vmem_shared>>
        tpu.enqueue_indirect_dma source(%dma_start3A_106 : memref<200x16xf32, #tpu.memory_space<vmem>>) target(%dma_start3A_112 : memref<10000x16xf32, #tpu.memory_space<vmem_shared>>) offsets(%dma_start3A_109 : memref<200xi32, #tpu.memory_space<vmem>>) semaphore(%arg12 : memref<!tpu.dma_semaphore, #tpu.memory_space<semaphore_mem>>) {add = true}
      } else {
      }
    }
    %scan3A_38 = arith.constant 50 : i32
    %sub3A_39 = arith.constant 1 : i32
    %sub3A_40 = arith.subi %sub3A_17, %sub3A_39 : i32
    %sub3A_41 = arith.constant 1 : i32
    %sub3A_42 = arith.subi %sub3A_17, %sub3A_41 : i32
    %rem3A = arith.constant 2 : i32
    %rem3A_43 = arith.remsi %sub3A_42, %rem3A : i32
    %dma_wait3A = arith.constant 0 : i32
    %dma_wait3A_44 = arith.constant 0 : i32
    %dma_wait3A_45 = tpu.memref_slice %arg7[%rem3A_43, %dma_wait3A, %dma_wait3A_44] : memref<2x200x16xf32, #tpu.memory_space<vmem>> -> memref<1x200x16xf32, #tpu.memory_space<vmem>>
    %dma_wait3A_46 = tpu.memref_squeeze %dma_wait3A_45 : memref<1x200x16xf32, #tpu.memory_space<vmem>> -> memref<200x16xf32, #tpu.memory_space<vmem>>
    %dma_wait3A_47 = arith.constant 0 : i32
    %dma_wait3A_48 = tpu.memref_slice %arg6[%sub3A_40, %dma_wait3A_47] : memref<50x200xi32, #tpu.memory_space<vmem>> -> memref<1x200xi32, #tpu.memory_space<vmem>>
    %dma_wait3A_49 = tpu.memref_squeeze %dma_wait3A_48 : memref<1x200xi32, #tpu.memory_space<vmem>> -> memref<200xi32, #tpu.memory_space<vmem>>
    %dma_wait3A_50 = arith.constant 0 : i32
    %dma_wait3A_51 = arith.constant 0 : i32
    %dma_wait3A_52 = tpu.memref_slice %arg9[%dma_wait3A_50, %dma_wait3A_51] : memref<10000x16xf32, #tpu.memory_space<vmem_shared>> -> memref<10000x16xf32, #tpu.memory_space<vmem_shared>>
    tpu.wait_indirect_dma semaphore(%arg12 : memref<!tpu.dma_semaphore, #tpu.memory_space<semaphore_mem>>) src(%dma_wait3A_46 : memref<200x16xf32, #tpu.memory_space<vmem>>) dst(%dma_wait3A_52 : memref<10000x16xf32, #tpu.memory_space<vmem_shared>>)
    %barrier3A_53 = arith.constant 0 : index
    tpu.barrier barrier_id(%barrier3A_53)
    %scan3A_54 = arith.constant 0 : i32
    %scan3A_55 = arith.constant 8 : i32
    %scan3A_56 = arith.addi %scan3A_54, %scan3A_55 : i32
    %scan3A_57 = arith.constant 1 : i32
    scf.for %scan3A_59 = %scan3A_54 to %scan3A_56 step %scan3A_57  : i32 {
      %mul3A_60 = arith.constant 1 : i32
      %mul3A_61 = arith.muli %scan3A_59, %mul3A_60 : i32
      %add3A_62 = arith.constant 0 : i32
      %add3A_63 = arith.addi %add3A_62, %mul3A_61 : i32
      %mul3A_64 = arith.constant 16 : i32
      %mul3A_65 = arith.muli %add3A_63, %mul3A_64 : i32
      %add3A_66 = arith.addi %mul3A_65, %arg1 : i32
      %lt3A = arith.constant 125 : i32
      %lt3A_67 = arith.cmpi slt, %add3A_66, %lt3A : i32
      %convert_element_type3A = arith.extui %lt3A_67 : i1 to i32
      %cond3A = arith.constant 0 : i32
      %cond3A_68 = arith.cmpi ne, %convert_element_type3A, %cond3A : i32
      scf.if %cond3A_68 {
        %mul3A_69 = arith.constant 80 : i32
        %mul3A_70 = arith.muli %add3A_66, %mul3A_69 : i32
        "tpu.region"() ({
          %run_scoped3A = tpu.sem_alloc : memref<!tpu.dma_semaphore, #tpu.memory_space<semaphore_mem>>
          %dma_start3A_74 = arith.constant 0 : i32
          %dma_start3A_75 = tpu.memref_slice %arg9[%mul3A_70, %dma_start3A_74] : memref<10000x16xf32, #tpu.memory_space<vmem_shared>> -> memref<80x16xf32, #tpu.memory_space<vmem_shared>>
          %dma_start3A_76 = arith.constant 0 : i32
          %dma_start3A_77 = tpu.memref_slice %arg9[%mul3A_70, %dma_start3A_76] : memref<10000x16xf32, #tpu.memory_space<vmem_shared>> -> memref<80x16xf32, #tpu.memory_space<vmem_shared>>
          tpu.enqueue_dma source(%dma_start3A_77 : memref<80x16xf32, #tpu.memory_space<vmem_shared>>) target(%arg8 : memref<80x16xf32, #tpu.memory_space<vmem>>) target_semaphore(%run_scoped3A : memref<!tpu.dma_semaphore, #tpu.memory_space<semaphore_mem>>)
          %dma_wait3A_78 = arith.constant 0 : i32
          %dma_wait3A_79 = tpu.memref_slice %arg9[%mul3A_70, %dma_wait3A_78] : memref<10000x16xf32, #tpu.memory_space<vmem_shared>> -> memref<80x16xf32, #tpu.memory_space<vmem_shared>>
          %dma_wait3A_80 = arith.constant 0 : i32
          %dma_wait3A_81 = tpu.memref_slice %arg9[%mul3A_70, %dma_wait3A_80] : memref<10000x16xf32, #tpu.memory_space<vmem_shared>> -> memref<80x16xf32, #tpu.memory_space<vmem_shared>>
          tpu.wait_dma2 semaphore(%run_scoped3A : memref<!tpu.dma_semaphore, #tpu.memory_space<semaphore_mem>>) src(%dma_wait3A_81 : memref<80x16xf32, #tpu.memory_space<vmem_shared>>) dst(%arg8 : memref<80x16xf32, #tpu.memory_space<vmem>>)
          tpu.yield
        }) : () -> ()
        %mul3A_71 = arith.constant 10000 : i32
        %mul3A_72 = arith.muli %arg0, %mul3A_71 : i32
        %add3A_73 = arith.addi %mul3A_72, %mul3A_70 : i32
        "tpu.region"() ({
          %run_scoped3A = tpu.sem_alloc : memref<!tpu.dma_semaphore, #tpu.memory_space<semaphore_mem>>
          %dma_start3A_74 = arith.constant 0 : i32
          %dma_start3A_75 = tpu.memref_slice %arg5[%add3A_73, %dma_start3A_74] : memref<20000x16xf32, #tpu.memory_space<hbm>> -> memref<80x16xf32, #tpu.memory_space<hbm>>
          %dma_start3A_76 = arith.constant 0 : i32
          %dma_start3A_77 = tpu.memref_slice %arg5[%add3A_73, %dma_start3A_76] : memref<20000x16xf32, #tpu.memory_space<hbm>> -> memref<80x16xf32, #tpu.memory_space<hbm>>
          tpu.enqueue_dma source(%arg8 : memref<80x16xf32, #tpu.memory_space<vmem>>) target(%dma_start3A_77 : memref<80x16xf32, #tpu.memory_space<hbm>>) target_semaphore(%run_scoped3A : memref<!tpu.dma_semaphore, #tpu.memory_space<semaphore_mem>>)
          %dma_wait3A_78 = arith.constant 0 : i32
          %dma_wait3A_79 = tpu.memref_slice %arg5[%add3A_73, %dma_wait3A_78] : memref<20000x16xf32, #tpu.memory_space<hbm>> -> memref<80x16xf32, #tpu.memory_space<hbm>>
          %dma_wait3A_80 = arith.constant 0 : i32
          %dma_wait3A_81 = tpu.memref_slice %arg5[%add3A_73, %dma_wait3A_80] : memref<20000x16xf32, #tpu.memory_space<hbm>> -> memref<80x16xf32, #tpu.memory_space<hbm>>
          tpu.wait_dma2 semaphore(%run_scoped3A : memref<!tpu.dma_semaphore, #tpu.memory_space<semaphore_mem>>) src(%arg8 : memref<80x16xf32, #tpu.memory_space<vmem>>) dst(%dma_wait3A_81 : memref<80x16xf32, #tpu.memory_space<hbm>>)
          tpu.yield
        }) : () -> ()
      } else {
      }
    }
    %scan3A_58 = arith.constant 8 : i32
    return
  }
}

module attributes {stable_mosaic.version = 14 : i64} {
  func.func @_tc_body(%arg0: i32, %arg1: memref<2x2000x64xf32, #tpu.memory_space<vmem>>, %arg2: memref<2x2000x16xf32, #tpu.memory_space<vmem>>, %arg3: memref<2x2000x8xf32, #tpu.memory_space<vmem>>, %arg4: memref<2000x128xf32, #tpu.memory_space<vmem>>, %arg5: memref<16x128xf32, #tpu.memory_space<vmem>>, %arg6: memref<128x128xf32, #tpu.memory_space<vmem>>, %arg7: memref<128x128xf32, #tpu.memory_space<vmem>>, %arg8: memref<1x128xf32, #tpu.memory_space<vmem>>, %arg9: memref<1x128xf32, #tpu.memory_space<vmem>>, %arg10: memref<1x128xf32, #tpu.memory_space<vmem>>, %arg11: memref<1x128xf32, #tpu.memory_space<vmem>>, %arg12: memref<1x128xf32, #tpu.memory_space<vmem>>, %arg13: memref<2000x128xf32, #tpu.memory_space<vmem>>) attributes {dimension_semantics = [#tpu.dimension_semantics<arbitrary>], iteration_bounds = array<i64: 5>, scalar_prefetch = 0 : i64, scratch_operands = 0 : i64, tpu.core_type = #tpu.core_type<tc>, window_params = [{transform_indices = @transform_0, window_bounds = array<i64: 2, 2000, 64>}, {transform_indices = @transform_1, window_bounds = array<i64: 2, 2000, 16>}, {transform_indices = @transform_2, window_bounds = array<i64: 2, 2000, 8>}, {transform_indices = @transform_3, window_bounds = array<i64: 2000, 128>}, {pipeline_mode = #tpu.pipeline_mode<synchronous>, transform_indices = @transform_4, window_bounds = array<i64: 16, 128>}, {pipeline_mode = #tpu.pipeline_mode<synchronous>, transform_indices = @transform_5, window_bounds = array<i64: 128, 128>}, {pipeline_mode = #tpu.pipeline_mode<synchronous>, transform_indices = @transform_6, window_bounds = array<i64: 128, 128>}, {pipeline_mode = #tpu.pipeline_mode<synchronous>, transform_indices = @transform_7, window_bounds = array<i64: 1, 128>}, {pipeline_mode = #tpu.pipeline_mode<synchronous>, transform_indices = @transform_8, window_bounds = array<i64: 1, 128>}, {pipeline_mode = #tpu.pipeline_mode<synchronous>, transform_indices = @transform_9, window_bounds = array<i64: 1, 128>}, {pipeline_mode = #tpu.pipeline_mode<synchronous>, transform_indices = @transform_10, window_bounds = array<i64: 1, 128>}, {pipeline_mode = #tpu.pipeline_mode<synchronous>, transform_indices = @transform_11, window_bounds = array<i64: 1, 128>}, {transform_indices = @transform_12, window_bounds = array<i64: 2000, 128>}]} {
    %get3A = arith.constant 0 : index
    %get3A_0 = arith.constant 0 : index
    %get3A_1 = arith.constant 0 : index
    %get3A_2 = vector.load %arg1[%get3A, %get3A_0, %get3A_1] : memref<2x2000x64xf32, #tpu.memory_space<vmem>>, vector<1x2000x64xf32>
    %get3A_3 = vector.shape_cast %get3A_2 : vector<1x2000x64xf32> to vector<2000x64xf32>
    %get3A_4 = arith.constant 1 : index
    %get3A_5 = arith.constant 0 : index
    %get3A_6 = arith.constant 0 : index
    %get3A_7 = vector.load %arg1[%get3A_4, %get3A_5, %get3A_6] : memref<2x2000x64xf32, #tpu.memory_space<vmem>>, vector<1x2000x64xf32>
    %get3A_8 = vector.shape_cast %get3A_7 : vector<1x2000x64xf32> to vector<2000x64xf32>
    %concatenate3A = tpu.concatenate %get3A_3, %get3A_8 in 1 : vector<2000x64xf32>, vector<2000x64xf32> -> vector<2000x128xf32>
    %get3A_9 = arith.constant 0 : index
    %get3A_10 = arith.constant 0 : index
    %get3A_11 = arith.constant 0 : index
    %get3A_12 = vector.load %arg2[%get3A_9, %get3A_10, %get3A_11] : memref<2x2000x16xf32, #tpu.memory_space<vmem>>, vector<1x2000x16xf32>
    %get3A_13 = vector.shape_cast %get3A_12 : vector<1x2000x16xf32> to vector<2000x16xf32>
    %get3A_14 = arith.constant 1 : index
    %get3A_15 = arith.constant 0 : index
    %get3A_16 = arith.constant 0 : index
    %get3A_17 = vector.load %arg2[%get3A_14, %get3A_15, %get3A_16] : memref<2x2000x16xf32, #tpu.memory_space<vmem>>, vector<1x2000x16xf32>
    %get3A_18 = vector.shape_cast %get3A_17 : vector<1x2000x16xf32> to vector<2000x16xf32>
    %add3A = arith.addf %get3A_13, %get3A_18 : vector<2000x16xf32>
    %get3A_19 = arith.constant 0 : index
    %get3A_20 = arith.constant 0 : index
    %get3A_21 = arith.constant 0 : index
    %get3A_22 = vector.load %arg3[%get3A_19, %get3A_20, %get3A_21] : memref<2x2000x8xf32, #tpu.memory_space<vmem>>, vector<1x2000x8xf32>
    %get3A_23 = vector.shape_cast %get3A_22 : vector<1x2000x8xf32> to vector<2000x8xf32>
    %get3A_24 = arith.constant 1 : index
    %get3A_25 = arith.constant 0 : index
    %get3A_26 = arith.constant 0 : index
    %get3A_27 = vector.load %arg3[%get3A_24, %get3A_25, %get3A_26] : memref<2x2000x8xf32, #tpu.memory_space<vmem>>, vector<1x2000x8xf32>
    %get3A_28 = vector.shape_cast %get3A_27 : vector<1x2000x8xf32> to vector<2000x8xf32>
    %add3A_29 = arith.addf %get3A_23, %get3A_28 : vector<2000x8xf32>
    %slice3A = vector.extract_strided_slice %add3A_29 {offsets = [0, 0], sizes = [2000, 1], strides = [1, 1]} : vector<2000x8xf32> to vector<2000x1xf32>
    %get3A_30 = arith.constant 0 : index
    %get3A_31 = arith.constant 0 : index
    %get3A_32 = vector.load %arg5[%get3A_30, %get3A_31] : memref<16x128xf32, #tpu.memory_space<vmem>>, vector<16x128xf32>
    %dot_general3A = arith.constant dense<0.000000e+00> : vector<2000x128xf32>
    %dot_general3A_33 = tpu.matmul %add3A, %get3A_32, %dot_general3A {dimension_numbers = #tpu.dot_dimension_numbers<[1], [0], [0], [1], [0, 0, 1, 1], [], []>, transpose_lhs_hint = false} : vector<2000x16xf32>, vector<16x128xf32>, vector<2000x128xf32> -> vector<2000x128xf32>
    %add3A_34 = arith.addf %concatenate3A, %dot_general3A_33 : vector<2000x128xf32>
    %get3A_35 = arith.constant 0 : index
    %get3A_36 = arith.constant 0 : index
    %get3A_37 = vector.load %arg8[%get3A_35, %get3A_36] : memref<1x128xf32, #tpu.memory_space<vmem>>, vector<1x128xf32>
    %mul3A = vector.broadcast %slice3A : vector<2000x1xf32> to vector<2000x128xf32>
    %mul3A_38 = vector.broadcast %get3A_37 : vector<1x128xf32> to vector<2000x128xf32>
    %mul3A_39 = arith.mulf %mul3A, %mul3A_38 : vector<2000x128xf32>
    %add3A_40 = arith.addf %add3A_34, %mul3A_39 : vector<2000x128xf32>
    %max3A = arith.constant 1.000000e+00 : f32
    %max3A_41 = vector.broadcast %max3A : f32 to vector<2000x1xf32>
    %max3A_42 = arith.maximumf %slice3A, %max3A_41 : vector<2000x1xf32>
    %div3A = vector.broadcast %max3A_42 : vector<2000x1xf32> to vector<2000x128xf32>
    %div3A_43 = arith.divf %add3A_40, %div3A : vector<2000x128xf32>
    %get3A_44 = arith.constant 0 : index
    %get3A_45 = arith.constant 0 : index
    %get3A_46 = vector.load %arg6[%get3A_44, %get3A_45] : memref<128x128xf32, #tpu.memory_space<vmem>>, vector<128x128xf32>
    %dot_general3A_47 = arith.constant dense<0.000000e+00> : vector<2000x128xf32>
    %dot_general3A_48 = tpu.matmul %div3A_43, %get3A_46, %dot_general3A_47 {dimension_numbers = #tpu.dot_dimension_numbers<[1], [0], [0], [1], [0, 0, 1, 1], [], []>, transpose_lhs_hint = false} : vector<2000x128xf32>, vector<128x128xf32>, vector<2000x128xf32> -> vector<2000x128xf32>
    %get3A_49 = arith.constant 0 : index
    %get3A_50 = arith.constant 0 : index
    %get3A_51 = vector.load %arg4[%get3A_49, %get3A_50] : memref<2000x128xf32, #tpu.memory_space<vmem>>, vector<2000x128xf32>
    %get3A_52 = arith.constant 0 : index
    %get3A_53 = arith.constant 0 : index
    %get3A_54 = vector.load %arg7[%get3A_52, %get3A_53] : memref<128x128xf32, #tpu.memory_space<vmem>>, vector<128x128xf32>
    %dot_general3A_55 = arith.constant dense<0.000000e+00> : vector<2000x128xf32>
    %dot_general3A_56 = tpu.matmul %get3A_51, %get3A_54, %dot_general3A_55 {dimension_numbers = #tpu.dot_dimension_numbers<[1], [0], [0], [1], [0, 0, 1, 1], [], []>, transpose_lhs_hint = false} : vector<2000x128xf32>, vector<128x128xf32>, vector<2000x128xf32> -> vector<2000x128xf32>
    %add3A_57 = arith.addf %dot_general3A_48, %dot_general3A_56 : vector<2000x128xf32>
    %get3A_58 = arith.constant 0 : index
    %get3A_59 = arith.constant 0 : index
    %get3A_60 = vector.load %arg9[%get3A_58, %get3A_59] : memref<1x128xf32, #tpu.memory_space<vmem>>, vector<1x128xf32>
    %add3A_61 = vector.broadcast %get3A_60 : vector<1x128xf32> to vector<2000x128xf32>
    %add3A_62 = arith.addf %add3A_57, %add3A_61 : vector<2000x128xf32>
    %get3A_63 = arith.constant 0 : index
    %get3A_64 = arith.constant 0 : index
    %get3A_65 = vector.load %arg10[%get3A_63, %get3A_64] : memref<1x128xf32, #tpu.memory_space<vmem>>, vector<1x128xf32>
    %add3A_66 = vector.broadcast %get3A_65 : vector<1x128xf32> to vector<2000x128xf32>
    %add3A_67 = arith.addf %add3A_62, %add3A_66 : vector<2000x128xf32>
    %reduce_sum3A = arith.constant dense<0.000000e+00> : vector<2000xf32>
    %reduce_sum3A_68 = vector.multi_reduction <add>, %add3A_67, %reduce_sum3A [1] : vector<2000x128xf32> to vector<2000xf32>
    %broadcast_in_dim3A = vector.shape_cast %reduce_sum3A_68 : vector<2000xf32> to vector<2000x1xf32>
    %div3A_69 = arith.constant 1.280000e+02 : f32
    %div3A_70 = vector.broadcast %div3A_69 : f32 to vector<2000x1xf32>
    %div3A_71 = arith.divf %broadcast_in_dim3A, %div3A_70 : vector<2000x1xf32>
    %sub3A = vector.broadcast %div3A_71 : vector<2000x1xf32> to vector<2000x128xf32>
    %sub3A_72 = arith.subf %add3A_67, %sub3A : vector<2000x128xf32>
    %mul3A_73 = arith.mulf %sub3A_72, %sub3A_72 : vector<2000x128xf32>
    %reduce_sum3A_74 = arith.constant dense<0.000000e+00> : vector<2000xf32>
    %reduce_sum3A_75 = vector.multi_reduction <add>, %mul3A_73, %reduce_sum3A_74 [1] : vector<2000x128xf32> to vector<2000xf32>
    %broadcast_in_dim3A_76 = vector.shape_cast %reduce_sum3A_75 : vector<2000xf32> to vector<2000x1xf32>
    %div3A_77 = arith.constant 1.280000e+02 : f32
    %div3A_78 = vector.broadcast %div3A_77 : f32 to vector<2000x1xf32>
    %div3A_79 = arith.divf %broadcast_in_dim3A_76, %div3A_78 : vector<2000x1xf32>
    %add3A_80 = arith.constant 9.99999974E-6 : f32
    %add3A_81 = vector.broadcast %add3A_80 : f32 to vector<2000x1xf32>
    %add3A_82 = arith.addf %div3A_79, %add3A_81 : vector<2000x1xf32>
    %rsqrt3A = math.rsqrt %add3A_82 : vector<2000x1xf32>
    %mul3A_83 = vector.broadcast %rsqrt3A : vector<2000x1xf32> to vector<2000x128xf32>
    %mul3A_84 = arith.mulf %sub3A_72, %mul3A_83 : vector<2000x128xf32>
    %get3A_85 = arith.constant 0 : index
    %get3A_86 = arith.constant 0 : index
    %get3A_87 = vector.load %arg11[%get3A_85, %get3A_86] : memref<1x128xf32, #tpu.memory_space<vmem>>, vector<1x128xf32>
    %mul3A_88 = vector.broadcast %get3A_87 : vector<1x128xf32> to vector<2000x128xf32>
    %mul3A_89 = arith.mulf %mul3A_84, %mul3A_88 : vector<2000x128xf32>
    %get3A_90 = arith.constant 0 : index
    %get3A_91 = arith.constant 0 : index
    %get3A_92 = vector.load %arg12[%get3A_90, %get3A_91] : memref<1x128xf32, #tpu.memory_space<vmem>>, vector<1x128xf32>
    %add3A_93 = vector.broadcast %get3A_92 : vector<1x128xf32> to vector<2000x128xf32>
    %add3A_94 = arith.addf %mul3A_89, %add3A_93 : vector<2000x128xf32>
    %swap3A = arith.constant 0 : index
    %swap3A_95 = arith.constant 0 : index
    %swap3A_96 = vector.load %arg13[%swap3A, %swap3A_95] : memref<2000x128xf32, #tpu.memory_space<vmem>>, vector<2000x128xf32>
    tpu.vector_store %arg13[%swap3A, %swap3A_95], %add3A_94 {strides = array<i32>} : memref<2000x128xf32, #tpu.memory_space<vmem>>, vector<2000x128xf32>,
    return
  }
  func.func @transform_0(%arg0: i32) -> (i32, i32, i32) {
    %c0_i32 = arith.constant 0 : i32
    %c0_i32_0 = arith.constant 0 : i32
    %c0_i32_1 = arith.constant 0 : i32
    return %c0_i32, %arg0, %c0_i32_0 : i32, i32, i32
  }
  func.func @transform_1(%arg0: i32) -> (i32, i32, i32) {
    %c0_i32 = arith.constant 0 : i32
    %c0_i32_0 = arith.constant 0 : i32
    %c0_i32_1 = arith.constant 0 : i32
    return %c0_i32, %arg0, %c0_i32_0 : i32, i32, i32
  }
  func.func @transform_2(%arg0: i32) -> (i32, i32, i32) {
    %c0_i32 = arith.constant 0 : i32
    %c0_i32_0 = arith.constant 0 : i32
    %c0_i32_1 = arith.constant 0 : i32
    return %c0_i32, %arg0, %c0_i32_0 : i32, i32, i32
  }
  func.func @transform_3(%arg0: i32) -> (i32, i32) {
    %c0_i32 = arith.constant 0 : i32
    %c0_i32_0 = arith.constant 0 : i32
    return %arg0, %c0_i32 : i32, i32
  }
  func.func @transform_4(%arg0: i32) -> (i32, i32) {
    %c0_i32 = arith.constant 0 : i32
    %c0_i32_0 = arith.constant 0 : i32
    %c0_i32_1 = arith.constant 0 : i32
    return %c0_i32, %c0_i32_0 : i32, i32
  }
  func.func @transform_5(%arg0: i32) -> (i32, i32) {
    %c0_i32 = arith.constant 0 : i32
    %c0_i32_0 = arith.constant 0 : i32
    %c0_i32_1 = arith.constant 0 : i32
    return %c0_i32, %c0_i32_0 : i32, i32
  }
  func.func @transform_6(%arg0: i32) -> (i32, i32) {
    %c0_i32 = arith.constant 0 : i32
    %c0_i32_0 = arith.constant 0 : i32
    %c0_i32_1 = arith.constant 0 : i32
    return %c0_i32, %c0_i32_0 : i32, i32
  }
  func.func @transform_7(%arg0: i32) -> (i32, i32) {
    %c0_i32 = arith.constant 0 : i32
    %c0_i32_0 = arith.constant 0 : i32
    %c0_i32_1 = arith.constant 0 : i32
    return %c0_i32, %c0_i32_0 : i32, i32
  }
  func.func @transform_8(%arg0: i32) -> (i32, i32) {
    %c0_i32 = arith.constant 0 : i32
    %c0_i32_0 = arith.constant 0 : i32
    %c0_i32_1 = arith.constant 0 : i32
    return %c0_i32, %c0_i32_0 : i32, i32
  }
  func.func @transform_9(%arg0: i32) -> (i32, i32) {
    %c0_i32 = arith.constant 0 : i32
    %c0_i32_0 = arith.constant 0 : i32
    %c0_i32_1 = arith.constant 0 : i32
    return %c0_i32, %c0_i32_0 : i32, i32
  }
  func.func @transform_10(%arg0: i32) -> (i32, i32) {
    %c0_i32 = arith.constant 0 : i32
    %c0_i32_0 = arith.constant 0 : i32
    %c0_i32_1 = arith.constant 0 : i32
    return %c0_i32, %c0_i32_0 : i32, i32
  }
  func.func @transform_11(%arg0: i32) -> (i32, i32) {
    %c0_i32 = arith.constant 0 : i32
    %c0_i32_0 = arith.constant 0 : i32
    %c0_i32_1 = arith.constant 0 : i32
    return %c0_i32, %c0_i32_0 : i32, i32
  }
  func.func @transform_12(%arg0: i32) -> (i32, i32) {
    %c0_i32 = arith.constant 0 : i32
    %c0_i32_0 = arith.constant 0 : i32
    return %arg0, %c0_i32 : i32, i32
  }
}

</mosaic_0001>

<sc_bundles>
// kernel: kernel.5.cloned.1.call-start
scs
__scs_entry_jumppad:
0x0: {  	(pc) =	sbr.rel $0x88, $3  }
0x1: {  	(tag) =	ssettag $0x0;
	lr =	simm.s32 $0x1  }
0x2: {  	[smem:$0x3F96] =	sst lr;
	_ =	strace $0xD0000000  }
0x3: {  	_ = 	snop  }
0x4: {  	_ = 	snop  }
0x5: {  	_ = 	snop  }
0x6: {  	_ = 	snop  }
0x7: {  	_ = 	snop  }
__scs_overlays_trampoline_lowered:
0x8: {  	[smem:$0x3FA5] =	sst s0  }
0x9: {  	[smem:$0x3FA6] =	sst s1  }
0xa: {  	[smem:$0x3FA7] =	sst s2  }
0xb: {  	[smem:$0x3FA8] =	sst s3  }
0xc: {  	[smem:$0x3FA9] =	sst s4  }
0xd: {  	[smem:$0x3FAA] =	sst s5  }
0xe: {  	[smem:$0x3FAB] =	sst s6  }
0xf: {  	[smem:$0x3FAC] =	sst s7  }
0x10: {  	[smem:$0x3FAD] =	sst s8  }
0x11: {  	[smem:$0x3FAE] =	sst s9;
	s0 =	simm.s32 @!p0 $0x0  }
0x12: {  	s1 =	sld [smem:$0x3F94];
	s0 =	simm.s32 @p0 $0x1  }
0x13: {  	[smem:$0x3FAF] =	sst s0;
	s0 =	simm.s32 @!p1 $0x0  }
0x14: {  	s2 =	sld [smem:$0x3F93];
	s0 =	simm.s32 @p1 $0x1  }
0x15: {  	[smem:$0x3FB0] =	sst s0;
	s0 =	simm.s32 @!p2 $0x0  }
0x16: {  	s3 =	sld [smem:$0x3FDB];
	s0 =	simm.s32 @p2 $0x1  }
0x17: {  	s4 =	simm.s32 $0x1BF5;
	[smem:$0x3FB2] =	sst s0  }
0x18: {  	s0 =	sld [smem:$0x3F95];
	_ =	swait.ge [sflag:s4], $0x0  }
0x19: {  	s7 =	sld [smem:$0x3F96]  }
0x1a: {  	s8 =	sadd.s32 $0xFFFFE003, lr  }
0x1b: {  	s9 =	sadd.s32 $0xFFFFFEF7, lr;
	s5 =	simm.s32 $0xFFFFFFFF;
	p2 =	slt.u32 s8, $0xFFFFF086  }
0x1c: {  	p1 =	slt.u32 s9, $0xF7A;
	s5 =	simm.s32 @!p2 $0x0  }
0x1d: {  	s5 =	simm.s32 @p1 $0x1;
	p0 =	seq.s32 s7, s2  }
0x1e: {  	s7 =	smul.u32 @!p0 $0xF7A, s2;
	p2 =	seq.s32 @!p0 s5, $0x0  }
0x1f: {  	s9 =	smul.u32 $0xF7A, s1;
	s8 =	simm.s32 @!p0 $0x1BF5;
	p2 =	por !p2, p0  }
0x20: {  	[sflag:s8] =	ssyncset.s32 @!p0 $0xFFFFF086;
	s6 =	sadd.s32 @!p0 s3, s7;
	s7 =	simm.s32 @!p0 $0x108  }
0x21: {  	s3 =	sadd.s32 s3, s9;
	s6 =	sadd.s32 @!p0 $0x88, s6;
	s7 =	simm.s32 @p2 $0x1082  }
0x22: {  	[simem:s7], [sflag:s8] =	dma.local @!p0 [hbm:s6], $0xF7A  }
0x23: {  	s9 =	sor.u32 $0xD0000000, s2;
	s6 =	simm.s32 $0x108;
	_ =	swait.ge @!p0 [sflag:s8], $0x0  }
0x24: {  	s3 =	sadd.s32 $0x88, s3;
	s6 =	simm.s32 @!p1 $0x1082;
	[sflag:s4] =	ssyncset.s32 $0xFFFFF086  }
0x25: {  	[simem:s6], [sflag:s4] =	dma.local [hbm:s3], $0xF7A  }
0x26: {  	[smem:$0x3F96] =	sst s1;
	(tag) =	ssettag s2;
	_ =	strace s9  }
0x27: {  	s1 =	sld [smem:$0x3FA6]  }
0x28: {  	s2 =	sld [smem:$0x3FA7]  }
0x29: {  	s4 =	sld [smem:$0x3FA9]  }
0x2a: {  	p0 =	seq.s32 s5, $0x0;
	s5 =	sld [smem:$0x3FAA]  }
0x2b: {  	s6 =	sld [smem:$0x3FAB]  }
0x2c: {  	s7 =	sld [smem:$0x3FAC]  }
0x2d: {  	s3 =	simm.s32 $0x108;
	s8 =	sld [smem:$0x3FAD]  }
0x2e: {  	s3 =	simm.s32 @!p0 $0x1082;
	s9 =	sld [smem:$0x3FAE]  }
0x2f: {  	lr =	sadd.s32 s0, s3;
	s0 =	sld [smem:$0x3FA5]  }
0x30: {  	s3 =	sld [smem:$0x3FA8]  }
0x31: {  	[smem:$0x3FB1] =	sst s10  }
0x32: {  	s10 =	sld [smem:$0x3FAF];
	_ =	sdelay $0x3  }
0x33: {  	p0 =	seq.s32 s10, $0x1;
	s10 =	sld [smem:$0x3FB1];
	_ =	sdelay $0x3  }
0x34: {  	[smem:$0x3FB1] =	sst s10  }
0x35: {  	s10 =	sld [smem:$0x3FB0];
	_ =	sdelay $0x3  }
0x36: {  	p1 =	seq.s32 s10, $0x1;
	s10 =	sld [smem:$0x3FB1];
	_ =	sdelay $0x3  }
0x37: {  	[smem:$0x3FB1] =	sst s10  }
0x38: {  	s10 =	sld [smem:$0x3FB2]  }
0x39: {  	_ = 	snop;
	(pc) =	sbr.ind lr, $3  }
0x3a: {  	_ = 	snop  }
0x3b: {  	_ = 	snop  }
0x3c: {  	p2 =	seq.s32 s10, $0x1;
	s10 =	sld [smem:$0x3FB1]  }
0x3d: {  	_ =	shalt  }
0x3e: {  	_ =	shalt  }
0x3f: {  	_ =	shalt  }
0x40: {  	_ =	shalt  }
0x41: {  	_ =	shalt  }
0x42: {  	_ =	shalt  }
0x43: {  	_ =	shalt  }
0x44: {  	_ =	shalt  }
0x45: {  	_ =	shalt  }
0x46: {  	_ =	shalt  }
0x47: {  	_ =	shalt  }
0x48: {  	_ =	shalt  }
0x49: {  	_ =	shalt  }
0x4a: {  	_ =	shalt  }
0x4b: {  	_ =	shalt  }
0x4c: {  	_ =	shalt  }
0x4d: {  	_ =	shalt  }
0x4e: {  	_ =	shalt  }
0x4f: {  	_ =	shalt  }
0x50: {  	_ =	shalt  }
0x51: {  	_ =	shalt  }
0x52: {  	_ =	shalt  }
0x53: {  	_ =	shalt  }
0x54: {  	_ =	shalt  }
0x55: {  	_ =	shalt  }
0x56: {  	_ =	shalt  }
0x57: {  	_ =	shalt  }
0x58: {  	_ =	shalt  }
0x59: {  	_ =	shalt  }
0x5a: {  	_ =	shalt  }
0x5b: {  	_ =	shalt  }
0x5c: {  	_ =	shalt  }
0x5d: {  	_ =	shalt  }
0x5e: {  	_ =	shalt  }
0x5f: {  	_ =	shalt  }
0x60: {  	_ =	shalt  }
0x61: {  	_ =	shalt  }
0x62: {  	_ =	shalt  }
0x63: {  	_ =	shalt  }
0x64: {  	_ =	shalt  }
0x65: {  	_ =	shalt  }
0x66: {  	_ =	shalt  }
0x67: {  	_ =	shalt  }
0x68: {  	_ =	shalt  }
0x69: {  	_ =	shalt  }
0x6a: {  	_ =	shalt  }
0x6b: {  	_ =	shalt  }
0x6c: {  	_ =	shalt  }
0x6d: {  	_ =	shalt  }
0x6e: {  	_ =	shalt  }
0x6f: {  	_ =	shalt  }
0x70: {  	_ =	shalt  }
0x71: {  	_ =	shalt  }
0x72: {  	_ =	shalt  }
0x73: {  	_ =	shalt  }
0x74: {  	_ =	shalt  }
0x75: {  	_ =	shalt  }
0x76: {  	_ =	shalt  }
0x77: {  	_ =	shalt  }
0x78: {  	_ =	shalt  }
0x79: {  	_ =	shalt  }
0x7a: {  	_ =	shalt  }
0x7b: {  	_ =	shalt  }
0x7c: {  	_ =	shalt  }
0x7d: {  	_ =	shalt  }
0x7e: {  	_ =	shalt  }
0x7f: {  	_ =	shalt  }
0x80: {  	_ =	shalt  }
0x81: {  	_ =	shalt  }
0x82: {  	_ =	shalt  }
0x83: {  	_ =	shalt  }
0x84: {  	_ =	shalt  }
0x85: {  	_ =	shalt  }
0x86: {  	_ =	shalt  }
0x87: {  	_ =	shalt  }
.Lfunc_end0:
.L_simem_size_0:
called_computation_lowered:
.L_overlay_start_0:
0x88: {  	s2 =	sld [smem:$0x3FD9]  }
0x89: {  	s3 =	sld [smem:$0x3FFE];
	_ =	sdelay $0x1  }
0x8a: {  	s1 =	srdreg.scid  }
0x8b: {  	s0 =	sand.u32 $0x1, s1  }
0x8c: {  	s17 =	sshll.u32 s0, $0xA;
	s2 =	sadd.s32 s3, s2  }
0x8d: {  	s2 =	sadd.s32 s2, s17  }
0x8e: {  	[smem:$0x3FBD] =	sst s2  }
0x8f: {  	_ = 	snop  }
0x90: {  	s2 =	sld [smem:$0x3FD0];
	(tm) =	ssettm $0x1  }
0x91: {  	s18 =	sld [smem:$0x3FFB];
	_ =	sdelay $0x3  }
0x92: {  	_ =	strace s18  }
0x93: {  	s3 =	sld [smem:$0x3FFC];
	_ =	sdelay $0x3  }
0x94: {  	_ =	strace s3  }
0x95: {  	s3 =	sld [smem:$0x3FFD];
	_ =	sdelay $0x3  }
0x96: {  	_ =	strace s3  }
0x97: {  	_ =	strace $0x8FFFFFFF  }
0x98: {  	s19 =	sld [smem:$0x3FDB];
	_ =	sdelay $0x1  }
0x99: {  	s4 =	simm.s32 $_scs_section_size  }
0x9a: {  	s5 =	simm.s32 $_size__tile_overlayer_lowered;
	s6 =	simm.s32 $_tile_overlayer_lowered  }
0x9b: {  	s22 =	simm.s32 $0x1BFF;
	s21 =	sshll.u32 s6, $0x1;
	s3 =	sadd.s32 s4, s19  }
0x9c: {  	s7 =	simm.s32 $0x0;
	s20 =	sshll.u32 s5, $0x1;
	s5 =	sadd.s32 s21, s3  }
0x9d: {  	[timem:s7], [sflag:s22] =	dma.local [hbm:s5], s20  }
0x9e: {  	_ =	swait.ge [sflag:s22], s20  }
0x9f: {  	s4 =	ssub.s32 $0x0, s20;
	[sflag:s22] =	ssyncset.done $0x0  }
0xa0: {  	[sflag:s22] =	ssyncadd.s32 s4;
	_ =	sdelay $0x1  }
0xa1: {  	s23 =	simm.s32 $0x1B8B  }
0xa2: {  	_ =	swait.ge [sflag:s23], $0x1  }
0xa3: {  	[sflag:s23] =	ssyncset.done $0x0  }
0xa4: {  	s25 =	simm.s32 $0x1B8E;
	s24 =	sld [smem:$0x3FFE];
	[sflag:s23] =	ssyncadd.s32 $0xFFFFFFFF  }
0xa5: {  	s26 =	simm.s32 $execute0_lowered;
	[smem:$0x3FD2] =	sst s25  }
0xa6: {  	s5 =	sshll.u32 s26, $0x1;
	_ =	strace $0x80000046;
	[dreg:$0x1] =	wrdreg $0xFFFFFFFF  }
0xa7: {  	s28 =	simm.s32 $_size_execute0_lowered;
	s3 =	sadd.s32 s3, s5;
	[dreg:$0x0] =	wrdreg $0x0  }
0xa8: {  	s5 =	sshll.u32 s28, $0x1;
	[dreg:$0x2] =	wrdreg s3  }
0xa9: {  	[dreg:$0x3] =	wrdreg s5  }
0xaa: {  	[dreg:$0x4] =	wrdreg $0xC0  }
0xab: {  	_ =	task [dreg:s7], $0x5FFFF  }
0xac: {  	[dreg:$0x1] =	wrdreg $0xFFFFFFFF  }
0xad: {  	[dreg:$0x0] =	wrdreg $0x60  }
0xae: {  	[dreg:$0x2] =	wrdreg s24  }
0xaf: {  	[dreg:$0x3] =	wrdreg s2  }
0xb0: {  	[dreg:$0x4] =	wrdreg $0x14F000  }
0xb1: {  	[dreg:$0x5] =	wrdreg $0x1EB400  }
0xb2: {  	[dreg:$0x6] =	wrdreg $0x9  }
0xb3: {  	_ =	task.clear_ibuf [dreg:s7], $0x7FFFF;
	_ =	strace $0x90000046  }
0xb4: {  	s29 =	simm.s32 $0x9;
	_ =	strace $0x80000048  }
0xb5: {  	_ =	swait.ge [sflag:s29], $0x1  }
0xb6: {  	[sflag:s29] =	ssyncadd.s32 $0xFFFFFFFF  }
0xb7: {  	_ =	strace $0x90000048  }
0xb8: {  	_ =	sfence  }
0xb9: {  	s30 =	sld [smem:$0x0];
	_ =	sdelay $0x2  }
0xba: {  	s31 =	sshll.u32 s1, $0xD;
	s1 =	sshrl.u32 s1, $0x2  }
0xbb: {  	s3 =	sand.u32 $0x4000, s31;
	s1 =	sadd.s32 s1, s30  }
0xbc: {  	s0 =	sor.u32 s3, s0;
	s1 =	sshll.u32 s1, $0x11  }
0xbd: {  	s0 =	sor.u32 s1, s0  }
0xbe: {  	s0 =	sadd.s32 $0x8F2B, s0  }
0xbf: {  	[sflag:s0] =	ssyncadd.remote.s32 $0x1  }
0xc0: {  	_ =	sfence.sel $0xFFFF  }
0xc1: {  	[dreg:$0x0] =	wrdreg $0xFFFFFFFF;
	(pc) =	sbr.abs _section_cstart, $3  }
0xc2: {  	[dreg:$0x1] =	wrdreg $0xFFFFFFFF  }
0xc3: {  	_ =	task.clear_ibuf [dreg:s7], $0x2FFFF;
	_ =	strace $0x9FFFFFFF  }
0xc4: {  	(tm) =	ssettm $0x7FFFFFFF  }
0xc5: {  	_ =	shalt  }
tec
execute0_lowered:
.L_overlay_start_1:
0x0: {  	(tag) =	ssettag $0x1  }
0x1: {  	s6 =	rddreg [dreg:$0x0]  }
0x2: {  	s7 =	rddreg [dreg:$0x1]  }
0x3: {  	s2 =	rddreg [dreg:$0x2];
	s1 =	stileid.u32  }
0x4: {  	s3 =	rddreg [dreg:$0x3];
	s0 =	smul.u32 $0x9C4, s1  }
0x5: {  	s4 =	simm.s32 $0x0;
	s5 =	srdreg.scid;
	s25 =	smul.u32 $0x5000, s1  }
0x6: {  	[smem:$0x7FF] =	sst s4;
	s5 =	sand.u32 $0x1, s5;
	s11 =	smul.u32 $0xA00, s1  }
0x7: {  	s8 =	sadd.s32 $0x3E600, s6;
	s12 =	sor.u32 $0x10, s1;
	s22 =	smul.u32 $0x2710, s5  }
0x8: {  	s10 =	sadd.s32 $0x3E800, s6;
	s23 =	sadd.s32 $0x3EC00, s6;
	s13 =	smul.u32 $0x5000, s12  }
0x9: {  	s31 =	sor.u32 $0x20, s1;
	s15 =	sor.u32 $0x30, s1;
	s28 =	smul.u32 $0xA00, s12  }
0xa: {  	_ =	strace $0x80000047;
	[dreg:$0x5] =	wrdreg s8;
	s14 =	smul.u32 $0x5000, s31  }
0xb: {  	s20 =	sor.u32 $0x40, s1;
	[dreg:$0x6] =	wrdreg s10;
	s12 =	smul.u32 $0xA00, s31  }
0xc: {  	s9 =	ssub.s32 $0x2, s5;
	[dreg:$0x7] =	wrdreg s23;
	s17 =	smul.u32 $0x5000, s15  }
0xd: {  	p0 =	seq.s32 s5, $0x0;
	s19 =	smul.u32 $0xA00, s15;
	s15 =	simm.s32 $0x3600  }
0xe: {  	s23 =	smul.u32 $0x280, s1;
	s0 =	sadd.s32 s0, s6;
	s24 =	sshrl.u32 s9, $0x1  }
0xf: {  	s26 =	sshrl.u32 s25, $0x2;
	s11 =	sshrl.u32 s11, $0x2;
	s15 =	simm.s32 @!p0 $0x17000  }
0x10: {  	s25 =	smul.u32 $0x50, s1;
	s8 =	sadd.s32 s22, s6;
	s9 =	ssub.s32 s9, s24  }
0x11: {  	s18 =	sadd.s32 s26, s2;
	s13 =	sshrl.u32 s13, $0x2;
	s11 =	sadd.s32 s11, s3  }
0x12: {  	s14 =	sshrl.u32 s14, $0x2;
	s12 =	sshrl.u32 s12, $0x2;
	s22 =	smul.u32 $0x5000, s20  }
0x13: {  	s24 =	sshrl.u32 s19, $0x2;
	s26 =	sor.u32 $0x50, s1;
	s29 =	sadd.s32 $0x34800, s0  }
0x14: {  	s30 =	sadd.s32 $0x2AA00, s0;
	s0 =	simm.s32 $0x13880;
	s9 =	smax.u32 s9, $0x1  }
0x15: {  	s13 =	sadd.s32 s13, s2;
	s16 =	sadd.s32 s14, s2;
	[dreg:$0x8] =	wrdreg s9  }
0x16: {  	s21 =	sadd.s32 s12, s3;
	s14 =	smul.u32 $0xA00, s20;
	[dreg:$0x9] =	wrdreg s13  }
0x17: {  	s31 =	sadd.s32 s25, s8;
	s10 =	smul.u32 $0x5000, s26;
	[dreg:$0xb] =	wrdreg s16  }
0x18: {  	s20 =	sor.u32 $0x70, s1;
	s9 =	sshrl.u32 s28, $0x2;
	[dreg:$0xc] =	wrdreg s21  }
0x19: {  	s16 =	smul.u32 $0x13880, s5;
	s28 =	sadd.s32 s24, s3;
	s12 =	sshrl.u32 s22, $0x2  }
0x1a: {  	s13 =	sor.u32 $0x60, s1;
	s21 =	smul.u32 $0x5000, s20;
	p1 =	sgt.u32 s20, $0x7C  }
0x1b: {  	s31 =	sadd.s32 $0x3EE00, s31;
	s9 =	sadd.s32 s9, s3;
	[dreg:$0xf] =	wrdreg s28  }
0x1c: {  	s19 =	smul.u32 $0xA00, s13;
	s8 =	sshrl.u32 s10, $0x2;
	[dreg:$0x18] =	wrdreg s31  }
0x1d: {  	[dreg:$0xa] =	wrdreg s9;
	s9 =	sshrl.u32 s17, $0x2;
	s17 =	sadd.s32 s15, s6  }
0x1e: {  	s7 =	sadd.s32 s16, s7;
	s15 =	sshrl.u32 s14, $0x2;
	s16 =	smul.u32 $0x5000, s13  }
0x1f: {  	s8 =	sadd.s32 s8, s2;
	s24 =	sshrl.u32 s21, $0x2;
	s14 =	simm.s32 $0x2  }
0x20: {  	s9 =	sadd.s32 s9, s2;
	s6 =	sadd.s32 s23, s7;
	[dreg:$0x12] =	wrdreg s8  }
0x21: {  	s23 =	sshrl.u32 s19, $0x2;
	s7 =	simm.s32 $0x14C80;
	[dreg:$0xd] =	wrdreg s9  }
0x22: {  	s8 =	simm.s32 $0x13240;
	s19 =	simm.s32 $0x0;
	[dreg:$0xe] =	wrdreg s6  }
0x23: {  	s6 =	smul.u32 $0xA00, s26;
	s9 =	sadd.s32 s12, s2;
	s13 =	sshrl.u32 s16, $0x2  }
0x24: {  	s12 =	smul.u32 $0xA00, s20;
	s26 =	sadd.s32 s24, s2;
	[dreg:$0x10] =	wrdreg s9  }
0x25: {  	s16 =	simm.s32 $0x4;
	s9 =	sadd.s32 s15, s3;
	[dreg:$0x16] =	wrdreg s26  }
0x26: {  	s22 =	sadd.s32 s13, s2;
	[dreg:$0x11] =	wrdreg s9;
	s6 =	sshrl.u32 s6, $0x2  }
0x27: {  	[dreg:$0x14] =	wrdreg s22;
	s25 =	sshrl.u32 s12, $0x2;
	s6 =	sadd.s32 s6, s3  }
0x28: {  	s13 =	simm.s32 $0xC8;
	s28 =	sadd.s32 s25, s3;
	[dreg:$0x13] =	wrdreg s6  }
0x29: {  	s9 =	simm.s32 $0x6;
	s6 =	sadd.s32 s23, s3;
	[dreg:$0x17] =	wrdreg s28  }
0x2a: {  	s12 =	simm.s32 $0x1;
	[dreg:$0x15] =	wrdreg s6;
	s6 =	simm.s32 $0x5  }
.LBB2_1:
0x2b: {  	s10 =	rddreg [dreg:$0x6]  }
0x2c: {  	[tilespmem:s0], [sflag:$0x5] =	stream.linear.gather [hbm4b:s10+s4], $0x1400, $0x38;
	[tilespmem:$0x1FEC8] =	vst v63  }
0x2d: {  	_ =	swait.ge [sflag:s6], $0x1400  }
0x2e: {  	[sflag:s6] =	ssyncset.done $0x0  }
0x2f: {  	s24 =	rddreg [dreg:$0x7];
	[sflag:s6] =	ssyncadd.s32 $0xFFFFEC00  }
0x30: {  	[tilespmem:s7], [sflag:$0x5] =	stream.linear.gather [hbm4b:s24+s4], $0x280, $0x38;
	[tilespmem:$0x1FEC8] =	vst v63  }
0x31: {  	_ =	swait.ge [sflag:s6], $0x280  }
0x32: {  	[sflag:s6] =	ssyncset.done $0x0  }
0x33: {  	s25 =	rddreg [dreg:$0x5];
	[sflag:s6] =	ssyncadd.s32 $0xFFFFFD80  }
0x34: {  	[tilespmem:s8], [sflag:$0x5] =	stream.linear.gather [hbm4b:s25+s4], $0x640, $0x38;
	[tilespmem:$0x1FEC8] =	vst v63  }
0x35: {  	_ =	swait.ge [sflag:s6], $0x640  }
0x36: {  	[sflag:s6] =	ssyncset.done $0x0  }
0x37: {  	[sflag:s6] =	ssyncadd.s32 $0xFFFFF9C0  }
0x38: {  	[spmem:s18] =	stream.linear.scatter [tilespmem:s0], [sflag:$0x6], $0x1400, $0x38;
	[tilespmem:$0x1FEC8] =	vst v63  }
0x39: {  	_ =	swait.ge [sflag:s9], $0x1400  }
0x3a: {  	[sflag:s9] =	ssyncset.done $0x0  }
0x3b: {  	[sflag:s9] =	ssyncadd.s32 $0xFFFFEC00  }
0x3c: {  	[spmem:s11] =	stream.linear.scatter [tilespmem:s7], [sflag:$0x5], $0x280, $0x38;
	[tilespmem:$0x1FEC8] =	vst v63  }
0x3d: {  	_ =	swait.ge [sflag:s6], $0x280  }
0x3e: {  	[sflag:s6] =	ssyncset.done $0x0  }
0x3f: {  	s26 =	rddreg [dreg:$0x9];
	[sflag:s6] =	ssyncadd.s32 $0xFFFFFD80  }
0x40: {  	[spmem:s26] =	stream.linear.scatter [tilespmem:s0], [sflag:$0x6], $0x1400, $0x38;
	[tilespmem:$0x1FEC8] =	vst v63  }
0x41: {  	_ =	swait.ge [sflag:s9], $0x1400  }
0x42: {  	[sflag:s9] =	ssyncset.done $0x0  }
0x43: {  	s28 =	rddreg [dreg:$0xa];
	[sflag:s9] =	ssyncadd.s32 $0xFFFFEC00  }
0x44: {  	[spmem:s28] =	stream.linear.scatter [tilespmem:s7], [sflag:$0x5], $0x280, $0x38;
	[tilespmem:$0x1FEC8] =	vst v63  }
0x45: {  	_ =	swait.ge [sflag:s6], $0x280  }
0x46: {  	[sflag:s6] =	ssyncset.done $0x0  }
0x47: {  	s31 =	rddreg [dreg:$0xb];
	[sflag:s6] =	ssyncadd.s32 $0xFFFFFD80  }
0x48: {  	[spmem:s31] =	stream.linear.scatter [tilespmem:s0], [sflag:$0x6], $0x1400, $0x38;
	[tilespmem:$0x1FEC8] =	vst v63  }
0x49: {  	_ =	swait.ge [sflag:s9], $0x1400  }
0x4a: {  	[sflag:s9] =	ssyncset.done $0x0  }
0x4b: {  	s15 =	rddreg [dreg:$0xc];
	[sflag:s9] =	ssyncadd.s32 $0xFFFFEC00  }
0x4c: {  	[spmem:s15] =	stream.linear.scatter [tilespmem:s7], [sflag:$0x5], $0x280, $0x38;
	[tilespmem:$0x1FEC8] =	vst v63  }
0x4d: {  	_ =	swait.ge [sflag:s6], $0x280  }
0x4e: {  	[sflag:s6] =	ssyncset.done $0x0  }
0x4f: {  	s20 =	rddreg [dreg:$0xd];
	[sflag:s6] =	ssyncadd.s32 $0xFFFFFD80  }
0x50: {  	[spmem:s20] =	stream.linear.scatter [tilespmem:s0], [sflag:$0x6], $0x1400, $0x38;
	[tilespmem:$0x1FEC8] =	vst v63  }
0x51: {  	_ =	swait.ge [sflag:s9], $0x1400  }
0x52: {  	[sflag:s9] =	ssyncset.done $0x0  }
0x53: {  	s21 =	rddreg [dreg:$0xf];
	[sflag:s9] =	ssyncadd.s32 $0xFFFFEC00  }
0x54: {  	[spmem:s21] =	stream.linear.scatter [tilespmem:s7], [sflag:$0x5], $0x280, $0x38;
	[tilespmem:$0x1FEC8] =	vst v63  }
0x55: {  	_ =	swait.ge [sflag:s6], $0x280  }
0x56: {  	[sflag:s6] =	ssyncset.done $0x0  }
0x57: {  	s22 =	rddreg [dreg:$0x10];
	[sflag:s6] =	ssyncadd.s32 $0xFFFFFD80  }
0x58: {  	[spmem:s22] =	stream.linear.scatter [tilespmem:s0], [sflag:$0x6], $0x1400, $0x38;
	[tilespmem:$0x1FEC8] =	vst v63  }
0x59: {  	_ =	swait.ge [sflag:s9], $0x1400  }
0x5a: {  	[sflag:s9] =	ssyncset.done $0x0  }
0x5b: {  	s23 =	rddreg [dreg:$0x11];
	[sflag:s9] =	ssyncadd.s32 $0xFFFFEC00  }
0x5c: {  	[spmem:s23] =	stream.linear.scatter [tilespmem:s7], [sflag:$0x5], $0x280, $0x38;
	[tilespmem:$0x1FEC8] =	vst v63  }
0x5d: {  	_ =	swait.ge [sflag:s6], $0x280  }
0x5e: {  	[sflag:s6] =	ssyncset.done $0x0  }
0x5f: {  	s24 =	rddreg [dreg:$0x12];
	[sflag:s6] =	ssyncadd.s32 $0xFFFFFD80  }
0x60: {  	[spmem:s24] =	stream.linear.scatter [tilespmem:s0], [sflag:$0x6], $0x1400, $0x38;
	[tilespmem:$0x1FEC8] =	vst v63  }
0x61: {  	_ =	swait.ge [sflag:s9], $0x1400  }
0x62: {  	[sflag:s9] =	ssyncset.done $0x0  }
0x63: {  	s25 =	rddreg [dreg:$0x13];
	[sflag:s9] =	ssyncadd.s32 $0xFFFFEC00  }
0x64: {  	[spmem:s25] =	stream.linear.scatter [tilespmem:s7], [sflag:$0x5], $0x280, $0x38;
	[tilespmem:$0x1FEC8] =	vst v63  }
0x65: {  	_ =	swait.ge [sflag:s6], $0x280  }
0x66: {  	[sflag:s6] =	ssyncset.done $0x0  }
0x67: {  	s26 =	rddreg [dreg:$0x14];
	[sflag:s6] =	ssyncadd.s32 $0xFFFFFD80  }
0x68: {  	[spmem:s26] =	stream.linear.scatter [tilespmem:s0], [sflag:$0x6], $0x1400, $0x38;
	[tilespmem:$0x1FEC8] =	vst v63  }
0x69: {  	_ =	swait.ge [sflag:s9], $0x1400  }
0x6a: {  	[sflag:s9] =	ssyncset.done $0x0  }
0x6b: {  	s28 =	rddreg [dreg:$0x15];
	[sflag:s9] =	ssyncadd.s32 $0xFFFFEC00  }
0x6c: {  	[spmem:s28] =	stream.linear.scatter [tilespmem:s7], [sflag:$0x5], $0x280, $0x38;
	[tilespmem:$0x1FEC8] =	vst v63  }
0x6d: {  	_ =	swait.ge [sflag:s6], $0x280  }
0x6e: {  	[sflag:s6] =	ssyncset.done $0x0  }
0x6f: {  	s20 =	simm.s32 @!p1 $0x13880;
	s10 =	rddreg [dreg:$0x16];
	[sflag:s6] =	ssyncadd.s32 $0xFFFFFD80  }
0x70: {  	[spmem:s10] =	stream.linear.scatter @!p1 [tilespmem:s20], [sflag:$0x6], $0x1400, $0x38;
	[tilespmem:$0x1FEC8] =	vst v63  }
0x71: {  	s20 =	simm.s32 @!p1 $0x6  }
0x72: {  	_ =	swait.ge @!p1 [sflag:s20], $0x1400  }
0x73: {  	[sflag:s20] =	ssyncset.done @!p1 $0x0  }
0x74: {  	s10 =	rddreg [dreg:$0x17];
	[sflag:s20] =	ssyncadd.s32 @!p1 $0xFFFFEC00;
	s20 =	simm.s32 @!p1 $0x14C80  }
0x75: {  	[spmem:s10] =	stream.linear.scatter @!p1 [tilespmem:s20], [sflag:$0x5], $0x280, $0x38;
	[tilespmem:$0x1FEC8] =	vst v63  }
0x76: {  	s20 =	simm.s32 @!p1 $0x5  }
0x77: {  	_ =	swait.ge @!p1 [sflag:s20], $0x280  }
0x78: {  	[sflag:s20] =	ssyncset.done @!p1 $0x0  }
0x79: {  	[sflag:s20] =	ssyncadd.s32 @!p1 $0xFFFFFD80  }
0x7a: {  	s31 =	sadd.s32 $0x0, s30;
	[bflag:$0x0] =	sbarrier.arrive $0xFFFF  }
0x7b: {  	[tilespmem:s4], [sflag:$0x1] =	stream.linear.gather [hbm4b:s31+s4], $0xC8, $0x38;
	[tilespmem:$0x1FEC8] =	vst v63  }
0x7c: {  	s21 =	sadd.s32 $0x0, s29;
	s20 =	simm.s32 $0x4E20  }
0x7d: {  	[tilespmem:s20], [sflag:$0x1] =	stream.linear.gather [hbm4b:s21+s4], $0xC8, $0x38;
	[tilespmem:$0x1FEC8] =	vst v63  }
0x7e: {  	s22 =	simm.s32 $0xC8;
	s21 =	simm.s32 $0x19  }
.LBB2_2:
0x7f: {  	s23 =	sadd.s32 s21, s30  }
0x80: {  	p2 =	sne.s32 s21, $0x9AB;
	s24 =	smov.u32 s21;
	s21 =	sadd.s32 $0x19, s21  }
0x81: {  	[tilespmem:s22], [sflag:$0x1] =	stream.linear.gather [hbm4b:s23+s4], $0xC8, $0x38;
	[tilespmem:$0x1FEC8] =	vst v63  }
.Ltmp0:
0x82: {  	_ = 	snop;
	(pc) =	sbr.rel @p2 .LBB2_2-.Ltmp0, $4  }
0x83: {  	s20 =	sadd.s32 $0xC8, s20;
	s23 =	sadd.s32 s24, s29  }
0x84: {  	[tilespmem:s20], [sflag:$0x1] =	stream.linear.gather [hbm4b:s23+s4], $0xC8, $0x38;
	[tilespmem:$0x1FEC8] =	vst v63  }
0x85: {  	_ = 	snop  }
0x86: {  	s22 =	sadd.s32 $0xC8, s22  }
0x87: {  	_ =	swait.ge [sflag:s12], $0xC8  }
0x88: {  	[sflag:s12] =	ssyncset.done $0x0  }
0x89: {  	[sflag:s12] =	ssyncadd.s32 $0xFFFFFF38  }
0x8a: {  	_ =	swait.ge [sflag:s12], $0xC8  }
0x8b: {  	s20 =	simm.s32 $0x63;
	[sflag:s12] =	ssyncset.done $0x0  }
.LBB2_4:
0x8c: {  	p2 =	sne.s32 s20, $0x1;
	s20 =	sadd.s32 $0xFFFFFFFF, s20;
	[sflag:s12] =	ssyncadd.s32 $0xFFFFFF38  }
.Ltmp1:
0x8d: {  	_ =	swait.ge [sflag:s12], $0xC8;
	(pc) =	sbr.rel @p2 .LBB2_4-.Ltmp1, $4  }
0x8e: {  	[sflag:s12] =	ssyncset.done $0x0  }
0x8f: {  	[sflag:s12] =	ssyncadd.s32 $0xFFFFFF38  }
0x90: {  	_ =	swait.ge [sflag:s12], $0xC8  }
0x91: {  	[sflag:s12] =	ssyncset.done $0x0  }
.Ltmp2:
0x92: {  	(pc) =	sbr.rel .LBB2_6-.Ltmp2, $3  }
0x93: {  	_ =	sdelay $0x1  }
0x94: {  	[sflag:s12] =	ssyncadd.s32 $0xFFFFFF38;
	s20 =	simm.s32 $0x0;
	s10 =	simm.s32 $0x9C40  }
0x95: {  	[tilespmem:s10], [sflag:$0x2] =	stream.indirect.gather [hbm4b:s17+s13], $0x40, s20, s13, $0xb8;
	[tilespmem:$0x1FEC8] =	vst v63  }
.LBB2_16:
.Ltmp3:
0x96: {  	(pc) =	sbr.rel @p0 .LBB2_12-.Ltmp3, $3  }
0x97: {  	_ =	sdelay $0x1  }
0x98: {  	s23 =	simm.s32 $0x9B78;
	s21 =	simm.s32 $0x64  }
0x99: {  	[spmem:s2] =	stream.indirect.scatter.add.f32 [tilespmem:s22], [sflag:$0x3], $0x40, s23, s13, $0xb8;
	[tilespmem:$0x1FEC8] =	vst v63  }
.LBB2_9:
0x9a: {  	_ =	swait.ge [sflag:s16], $0x640  }
0x9b: {  	[sflag:s16] =	ssyncset.done $0x0  }
0x9c: {  	[sflag:s16] =	ssyncadd.s32 $0xFFFFF9C0  }
.LBB2_10:
0x9d: {  	[spmem:s3] =	stream.indirect.scatter.add.f32 [tilespmem:s8], [sflag:$0x4], $0x8, s23, s13, $0xb8;
	[tilespmem:$0x1FEC8] =	vst v63  }
.LBB2_11:
0x9e: {  	p2 =	slt.u32 s21, $0x64  }
.Ltmp4:
0x9f: {  	_ = 	snop;
	(pc) =	sbr.rel @!p2 .LBB2_12-.Ltmp4, $2  }
0xa0: {  	_ =	sdelay $0x2  }
0xa1: {  	s20 =	smov.u32 s21  }
.LBB2_6:
0xa2: {  	s21 =	smul.u32 $0xAB, s20;
	_ =	sdelay $0x1  }
0xa3: {  	s21 =	sshrl.u32 s21, $0x9  }
0xa4: {  	s21 =	sand.u32 $0x7F, s21  }
0xa5: {  	p2 =	slt.u32 s20, $0x2;
	s21 =	smul.u32 $0x3, s21  }
0xa6: {  	p3 =	seq.s32 @!p2 s20, $0x63  }
0xa7: {  	_ =	swait.ge [sflag:s14], $0x3200;
	p3 =	por p2, !p3;
	s21 =	ssub.s32 s20, s21  }
.Ltmp5:
0xa8: {  	[sflag:s14] =	ssyncset.done $0x0;
	s21 =	sand.u32 $0xFF, s21;
	(pc) =	sbr.rel @!p3 .LBB2_16-.Ltmp5, $4  }
0xa9: {  	s23 =	simm.s32 @!p2 $0x3;
	[sflag:s14] =	ssyncadd.s32 $0xFFFFCE00;
	s21 =	smul.u32 $0xC800, s21  }
0xaa: {  	_ =	swait.ge @!p2 [sflag:s23], $0x3200  }
0xab: {  	[sflag:s23] =	ssyncset.done @!p2 $0x0;
	s21 =	sshrl.u32 s21, $0x2  }
0xac: {  	[sflag:s23] =	ssyncadd.s32 @!p2 $0xFFFFCE00;
	s22 =	sadd.s32 $0x9C40, s21  }
0xad: {  	s21 =	sadd.s32 $0x1, s20  }
0xae: {  	s23 =	smul.u32 $0xAB, s21;
	_ =	sdelay $0x1  }
0xaf: {  	s23 =	sshrl.u32 s23, $0x9  }
0xb0: {  	s23 =	sand.u32 $0x7F, s23  }
0xb1: {  	s23 =	smul.u32 $0x3, s23;
	_ =	sdelay $0x1  }
0xb2: {  	s23 =	ssub.s32 s21, s23  }
0xb3: {  	s24 =	smul.u32 $0x320, s20;
	s23 =	sand.u32 $0xFF, s23  }
0xb4: {  	s31 =	sand.u32 $0x1, s20;
	s23 =	smul.u32 $0xC800, s23  }
0xb5: {  	p3 =	seq.s32 s31, s5  }
.Ltmp6:
0xb6: {  	s25 =	sadd.s32 $0x320, s24;
	s23 =	sshrl.u32 s23, $0x2;
	(pc) =	sbr.rel @!p3 .LBB2_11-.Ltmp6, $4  }
0xb7: {  	s28 =	sshra.s32 s24, $0x2;
	s25 =	sshra.s32 s25, $0x2;
	s23 =	sadd.s32 $0x9C40, s23  }
0xb8: {  	[tilespmem:s23], [sflag:$0x2] =	stream.indirect.gather [hbm4b:s17+s13], $0x40, s25, s13, $0xb8;
	[tilespmem:$0x1FEC8] =	vst v63  }
0xb9: {  	s23 =	sadd.s32 $0x4E20, s28  }
0xba: {  	[spmem:s2] =	stream.indirect.scatter.add.f32 [tilespmem:s22], [sflag:$0x3], $0x40, s23, s13, $0xb8;
	[tilespmem:$0x1FEC8] =	vst v63  }
.Ltmp7:
0xbb: {  	(pc) =	sbr.rel @p2 .LBB2_10-.Ltmp7, $4  }
.Ltmp8:
0xbc: {  	(pc) =	sbr.rel @!p2 .LBB2_9-.Ltmp8, $4  }
0xbd: {  	_ = 	snop  }
0xbe: {  	_ = 	snop  }
0xbf: {  	_ = 	snop  }
0xc0: {  	_ = 	snop  }
.LBB2_12:
0xc1: {  	s10 =	simm.s32 $0x3  }
0xc2: {  	_ =	swait.ge [sflag:s10], $0x3200  }
0xc3: {  	[sflag:s10] =	ssyncset.done $0x0  }
0xc4: {  	[sflag:s10] =	ssyncadd.s32 $0xFFFFCE00  }
0xc5: {  	_ =	swait.ge [sflag:s10], $0x3200  }
0xc6: {  	[sflag:s10] =	ssyncset.done $0x0  }
0xc7: {  	[sflag:s10] =	ssyncadd.s32 $0xFFFFCE00  }
0xc8: {  	_ =	swait.ge [sflag:s16], $0x640  }
0xc9: {  	s20 =	sadd.s32 $0x0, s1;
	[sflag:s16] =	ssyncset.done $0x0  }
0xca: {  	p2 =	sgt.u32 s20, $0x7C;
	[sflag:s16] =	ssyncadd.s32 $0xFFFFF9C0  }
0xcb: {  	s20 =	simm.s32 @!p2 $0x13880;
	s22 =	simm.s32 @!p2 $0x6;
	[bflag:$0x0] =	sbarrier.arrive $0xFFFF  }
0xcc: {  	[tilespmem:s20], [sflag:$0x6] =	stream.linear.gather @!p2 [spmem:s18], $0x1400, $0x38;
	[tilespmem:$0x1FEC8] =	vst v63  }
0xcd: {  	_ =	swait.ge @!p2 [sflag:s22], $0x1400  }
0xce: {  	s24 =	simm.s32 @!p2 $0x0;
	[sflag:s22] =	ssyncset.done @!p2 $0x0  }
0xcf: {  	s10 =	rddreg [dreg:$0xe];
	[sflag:s22] =	ssyncadd.s32 @!p2 $0xFFFFEC00;
	p2 =	por p2, p2  }
0xd0: {  	[hbm4b:s10+s24] =	stream.linear.scatter @!p2 [tilespmem:s20], [sflag:$0x6], $0x1400, $0x38;
	[tilespmem:$0x1FEC8] =	vst v63  }
0xd1: {  	_ =	swait.ge @!p2 [sflag:s22], $0x1400  }
0xd2: {  	[sflag:s22] =	ssyncset.done @!p2 $0x0  }
0xd3: {  	s23 =	simm.s32 $0x20;
	s26 =	simm.s32 @!p2 $0x14C80;
	[sflag:s22] =	ssyncadd.s32 @!p2 $0xFFFFEC00  }
0xd4: {  	[tilespmem:s26], [sflag:$0x6] =	stream.linear.gather @!p2 [spmem:s11], $0x280, $0x38;
	[tilespmem:$0x1FEC8] =	vst v63  }
0xd5: {  	s15 =	smov.u32 s11;
	s31 =	sadd.s32 $0x10, s1;
	_ =	swait.ge @!p2 [sflag:s22], $0x280  }
0xd6: {  	s21 =	sadd.s32 $0x2800, s11;
	p4 =	sgt.u32 s31, $0x7C;
	[sflag:s22] =	ssyncset.done @!p2 $0x0  }
0xd7: {  	s25 =	simm.s32 @!p2 $0x5;
	s11 =	rddreg [dreg:$0x18];
	[sflag:s22] =	ssyncadd.s32 @!p2 $0xFFFFFD80  }
0xd8: {  	[hbm4b:s11+s24] =	stream.linear.scatter @!p2 [tilespmem:s26], [sflag:$0x5], $0x280, $0x38;
	[tilespmem:$0x1FEC8] =	vst v63  }
0xd9: {  	s20 =	sadd.s32 $0x500, s11;
	s22 =	sadd.s32 $0x2800, s10;
	_ =	swait.ge @!p2 [sflag:s25], $0x280  }
0xda: {  	s11 =	smov.u32 s18;
	s24 =	sadd.s32 $0x14000, s18;
	[sflag:s25] =	ssyncset.done @!p2 $0x0  }
.LBB2_13:
0xdb: {  	s26 =	simm.s32 @!p4 $0x13880;
	s28 =	simm.s32 @!p4 $0x6;
	[sflag:s25] =	ssyncadd.s32 @!p2 $0xFFFFFD80  }
0xdc: {  	[tilespmem:s26], [sflag:$0x6] =	stream.linear.gather @!p4 [spmem:s24], $0x1400, $0x38;
	[tilespmem:$0x1FEC8] =	vst v63  }
0xdd: {  	s18 =	smov.u32 s23;
	s23 =	sadd.s32 $0x10, s23;
	_ =	swait.ge @!p4 [sflag:s28], $0x1400  }
0xde: {  	s31 =	smov.u32 s20;
	p3 =	sne.s32 s23, $0x80;
	[sflag:s28] =	ssyncset.done @!p4 $0x0  }
0xdf: {  	s10 =	simm.s32 @!p4 $0x0;
	p2 =	por p4, p4;
	[sflag:s28] =	ssyncadd.s32 @!p4 $0xFFFFEC00  }
0xe0: {  	[hbm4b:s22+s10] =	stream.linear.scatter @!p2 [tilespmem:s26], [sflag:$0x6], $0x1400, $0x38;
	[tilespmem:$0x1FEC8] =	vst v63  }
0xe1: {  	_ =	swait.ge @!p2 [sflag:s28], $0x1400  }
0xe2: {  	[sflag:s28] =	ssyncset.done @!p2 $0x0  }
0xe3: {  	s26 =	simm.s32 @!p2 $0x14C80;
	[sflag:s28] =	ssyncadd.s32 @!p2 $0xFFFFEC00  }
0xe4: {  	[tilespmem:s26], [sflag:$0x6] =	stream.linear.gather @!p2 [spmem:s21], $0x280, $0x38;
	[tilespmem:$0x1FEC8] =	vst v63  }
0xe5: {  	_ =	swait.ge @!p2 [sflag:s28], $0x280  }
.Ltmp9:
0xe6: {  	s21 =	sadd.s32 $0x2800, s21;
	[sflag:s28] =	ssyncset.done @!p2 $0x0;
	(pc) =	sbr.rel @p3 .LBB2_13-.Ltmp9, $4  }
0xe7: {  	s20 =	sadd.s32 $0x500, s20;
	s25 =	simm.s32 @!p2 $0x5;
	[sflag:s28] =	ssyncadd.s32 @!p2 $0xFFFFFD80  }
0xe8: {  	[hbm4b:s31+s10] =	stream.linear.scatter @!p2 [tilespmem:s26], [sflag:$0x5], $0x280, $0x38;
	[tilespmem:$0x1FEC8] =	vst v63  }
0xe9: {  	s22 =	sadd.s32 $0x2800, s22;
	s10 =	sadd.s32 s18, s1;
	_ =	swait.ge @!p2 [sflag:s25], $0x280  }
0xea: {  	s24 =	sadd.s32 $0x14000, s24;
	p4 =	sgt.u32 s10, $0x7C;
	[sflag:s25] =	ssyncset.done @!p2 $0x0  }
0xeb: {  	s10 =	simm.s32 @!p4 $0x13880;
	s18 =	simm.s32 @!p4 $0x6;
	[sflag:s25] =	ssyncadd.s32 @!p2 $0xFFFFFD80  }
0xec: {  	[tilespmem:s10], [sflag:$0x6] =	stream.linear.gather @!p4 [spmem:s24], $0x1400, $0x38;
	[tilespmem:$0x1FEC8] =	vst v63  }
0xed: {  	_ =	swait.ge @!p4 [sflag:s18], $0x1400  }
0xee: {  	[sflag:s18] =	ssyncset.done @!p4 $0x0  }
0xef: {  	s23 =	simm.s32 @!p4 $0x0;
	p2 =	por p4, p4;
	[sflag:s18] =	ssyncadd.s32 @!p4 $0xFFFFEC00  }
0xf0: {  	[hbm4b:s22+s23] =	stream.linear.scatter @!p2 [tilespmem:s10], [sflag:$0x6], $0x1400, $0x38;
	[tilespmem:$0x1FEC8] =	vst v63  }
0xf1: {  	_ =	swait.ge @!p2 [sflag:s18], $0x1400  }
0xf2: {  	[sflag:s18] =	ssyncset.done @!p2 $0x0  }
0xf3: {  	s10 =	simm.s32 @!p2 $0x14C80;
	[sflag:s18] =	ssyncadd.s32 @!p2 $0xFFFFEC00  }
0xf4: {  	[tilespmem:s10], [sflag:$0x6] =	stream.linear.gather @!p2 [spmem:s21], $0x280, $0x38;
	[tilespmem:$0x1FEC8] =	vst v63  }
0xf5: {  	_ =	swait.ge @!p2 [sflag:s18], $0x280  }
0xf6: {  	[sflag:s18] =	ssyncset.done @!p2 $0x0  }
0xf7: {  	[sflag:s18] =	ssyncadd.s32 @!p2 $0xFFFFFD80;
	s18 =	simm.s32 @!p2 $0x5  }
0xf8: {  	[hbm4b:s20+s23] =	stream.linear.scatter @!p2 [tilespmem:s10], [sflag:$0x5], $0x280, $0x38;
	[tilespmem:$0x1FEC8] =	vst v63  }
0xf9: {  	_ =	swait.ge @!p2 [sflag:s18], $0x280  }
0xfa: {  	s19 =	sadd.s32 $0x1, s19;
	s31 =	rddreg [dreg:$0x8]  }
0xfb: {  	p3 =	sne.s32 s19, s31  }
.Ltmp10:
0xfc: {  	_ = 	snop;
	(pc) =	sbr.rel @p3 .LBB2_1-.Ltmp10, $3  }
0xfd: {  	_ =	sdelay $0x1  }
0xfe: {  	[sflag:s18] =	ssyncset.done @!p2 $0x0  }
0xff: {  	[sflag:s18] =	ssyncadd.s32 @!p2 $0xFFFFFD80;
	s18 =	smov.u32 s11;
	s11 =	smov.u32 s15  }
0x100: {  	_ =	sfence.sel $0x180000  }
0x101: {  	[bflag:$0x0] =	sbarrier.arrive $0xFFFF  }
0x102: {  	_ =	strace $0x90000047  }
0x103: {  	[bflag:$0x2] =	sbarrier.arrive $0xFFFF  }
0x104: {  	p0 =	sne.s32 s1, $0x0;
	s0 =	rddreg [dreg:$0x4]  }
0x105: {  	s0 =	sadd.s32 @!p0 $0x100000, s0  }
0x106: {  	[sflag:s0] =	ssyncadd.tile.s32 @!p0 $0x1;
	_ =	shalt  }
.Lfunc_end2:
_tile_overlayer_lowered:
.L_overlay_start_2:
0x107: {  	(tag) =	ssettag $0x2  }
0x108: {  	s0 =	rddreg [dreg:$0x0];
	s2 =	stileid.u32  }
0x109: {  	s1 =	rddreg [dreg:$0x1];
	p0 =	sne.s32 s2, $0x0  }
0x10a: {  	s3 =	rddreg [dreg:$0x2];
	[bflag:$0x3] =	sbarrier.arrive $0xFFFF;
	s2 =	simm.s32 @!p0 $0x1C05  }
0x10b: {  	[timem:s3], [sflag:s2] =	dma.local @!p0 [hbm:s0], s1  }
0x10c: {  	s0 =	simm.s32 @!p0 $0x5  }
0x10d: {  	_ =	swait.ge @!p0 [sflag:s0], s1  }
0x10e: {  	s1 =	ssub.s32 @!p0 $0x0, s1;
	[sflag:s0] =	ssyncset.done @!p0 $0x0  }
0x10f: {  	[sflag:s0] =	ssyncadd.s32 @!p0 s1  }
0x110: {  	[bflag:$0x3] =	sbarrier.arrive $0xFFFF  }
0x111: {  	_ =	shalt  }

// kernel: kernel.8.cloned.1.call-start
scs
__scs_entry_jumppad:
0x0: {  	(pc) =	sbr.rel $0x88, $3  }
0x1: {  	(tag) =	ssettag $0x0;
	lr =	simm.s32 $0x1  }
0x2: {  	[smem:$0x3F96] =	sst lr;
	_ =	strace $0xD0000000  }
0x3: {  	_ = 	snop  }
0x4: {  	_ = 	snop  }
0x5: {  	_ = 	snop  }
0x6: {  	_ = 	snop  }
0x7: {  	_ = 	snop  }
__scs_overlays_trampoline_lowered:
0x8: {  	[smem:$0x3FA5] =	sst s0  }
0x9: {  	[smem:$0x3FA6] =	sst s1  }
0xa: {  	[smem:$0x3FA7] =	sst s2  }
0xb: {  	[smem:$0x3FA8] =	sst s3  }
0xc: {  	[smem:$0x3FA9] =	sst s4  }
0xd: {  	[smem:$0x3FAA] =	sst s5  }
0xe: {  	[smem:$0x3FAB] =	sst s6  }
0xf: {  	[smem:$0x3FAC] =	sst s7  }
0x10: {  	[smem:$0x3FAD] =	sst s8  }
0x11: {  	[smem:$0x3FAE] =	sst s9;
	s0 =	simm.s32 @!p0 $0x0  }
0x12: {  	s1 =	sld [smem:$0x3F94];
	s0 =	simm.s32 @p0 $0x1  }
0x13: {  	[smem:$0x3FAF] =	sst s0;
	s0 =	simm.s32 @!p1 $0x0  }
0x14: {  	s2 =	sld [smem:$0x3F93];
	s0 =	simm.s32 @p1 $0x1  }
0x15: {  	[smem:$0x3FB0] =	sst s0;
	s0 =	simm.s32 @!p2 $0x0  }
0x16: {  	s3 =	sld [smem:$0x3FDB];
	s0 =	simm.s32 @p2 $0x1  }
0x17: {  	s4 =	simm.s32 $0x1BF5;
	[smem:$0x3FB2] =	sst s0  }
0x18: {  	s0 =	sld [smem:$0x3F95];
	_ =	swait.ge [sflag:s4], $0x0  }
0x19: {  	s7 =	sld [smem:$0x3F96]  }
0x1a: {  	s8 =	sadd.s32 $0xFFFFE003, lr  }
0x1b: {  	s9 =	sadd.s32 $0xFFFFFEF7, lr;
	s5 =	simm.s32 $0xFFFFFFFF;
	p2 =	slt.u32 s8, $0xFFFFF086  }
0x1c: {  	p1 =	slt.u32 s9, $0xF7A;
	s5 =	simm.s32 @!p2 $0x0  }
0x1d: {  	s5 =	simm.s32 @p1 $0x1;
	p0 =	seq.s32 s7, s2  }
0x1e: {  	s7 =	smul.u32 @!p0 $0xF7A, s2;
	p2 =	seq.s32 @!p0 s5, $0x0  }
0x1f: {  	s9 =	smul.u32 $0xF7A, s1;
	s8 =	simm.s32 @!p0 $0x1BF5;
	p2 =	por !p2, p0  }
0x20: {  	[sflag:s8] =	ssyncset.s32 @!p0 $0xFFFFF086;
	s6 =	sadd.s32 @!p0 s3, s7;
	s7 =	simm.s32 @!p0 $0x108  }
0x21: {  	s3 =	sadd.s32 s3, s9;
	s6 =	sadd.s32 @!p0 $0x88, s6;
	s7 =	simm.s32 @p2 $0x1082  }
0x22: {  	[simem:s7], [sflag:s8] =	dma.local @!p0 [hbm:s6], $0xF7A  }
0x23: {  	s9 =	sor.u32 $0xD0000000, s2;
	s6 =	simm.s32 $0x108;
	_ =	swait.ge @!p0 [sflag:s8], $0x0  }
0x24: {  	s3 =	sadd.s32 $0x88, s3;
	s6 =	simm.s32 @!p1 $0x1082;
	[sflag:s4] =	ssyncset.s32 $0xFFFFF086  }
0x25: {  	[simem:s6], [sflag:s4] =	dma.local [hbm:s3], $0xF7A  }
0x26: {  	[smem:$0x3F96] =	sst s1;
	(tag) =	ssettag s2;
	_ =	strace s9  }
0x27: {  	s1 =	sld [smem:$0x3FA6]  }
0x28: {  	s2 =	sld [smem:$0x3FA7]  }
0x29: {  	s4 =	sld [smem:$0x3FA9]  }
0x2a: {  	p0 =	seq.s32 s5, $0x0;
	s5 =	sld [smem:$0x3FAA]  }
0x2b: {  	s6 =	sld [smem:$0x3FAB]  }
0x2c: {  	s7 =	sld [smem:$0x3FAC]  }
0x2d: {  	s3 =	simm.s32 $0x108;
	s8 =	sld [smem:$0x3FAD]  }
0x2e: {  	s3 =	simm.s32 @!p0 $0x1082;
	s9 =	sld [smem:$0x3FAE]  }
0x2f: {  	lr =	sadd.s32 s0, s3;
	s0 =	sld [smem:$0x3FA5]  }
0x30: {  	s3 =	sld [smem:$0x3FA8]  }
0x31: {  	[smem:$0x3FB1] =	sst s10  }
0x32: {  	s10 =	sld [smem:$0x3FAF];
	_ =	sdelay $0x3  }
0x33: {  	p0 =	seq.s32 s10, $0x1;
	s10 =	sld [smem:$0x3FB1];
	_ =	sdelay $0x3  }
0x34: {  	[smem:$0x3FB1] =	sst s10  }
0x35: {  	s10 =	sld [smem:$0x3FB0];
	_ =	sdelay $0x3  }
0x36: {  	p1 =	seq.s32 s10, $0x1;
	s10 =	sld [smem:$0x3FB1];
	_ =	sdelay $0x3  }
0x37: {  	[smem:$0x3FB1] =	sst s10  }
0x38: {  	s10 =	sld [smem:$0x3FB2]  }
0x39: {  	_ = 	snop;
	(pc) =	sbr.ind lr, $3  }
0x3a: {  	_ = 	snop  }
0x3b: {  	_ = 	snop  }
0x3c: {  	p2 =	seq.s32 s10, $0x1;
	s10 =	sld [smem:$0x3FB1]  }
0x3d: {  	_ =	shalt  }
0x3e: {  	_ =	shalt  }
0x3f: {  	_ =	shalt  }
0x40: {  	_ =	shalt  }
0x41: {  	_ =	shalt  }
0x42: {  	_ =	shalt  }
0x43: {  	_ =	shalt  }
0x44: {  	_ =	shalt  }
0x45: {  	_ =	shalt  }
0x46: {  	_ =	shalt  }
0x47: {  	_ =	shalt  }
0x48: {  	_ =	shalt  }
0x49: {  	_ =	shalt  }
0x4a: {  	_ =	shalt  }
0x4b: {  	_ =	shalt  }
0x4c: {  	_ =	shalt  }
0x4d: {  	_ =	shalt  }
0x4e: {  	_ =	shalt  }
0x4f: {  	_ =	shalt  }
0x50: {  	_ =	shalt  }
0x51: {  	_ =	shalt  }
0x52: {  	_ =	shalt  }
0x53: {  	_ =	shalt  }
0x54: {  	_ =	shalt  }
0x55: {  	_ =	shalt  }
0x56: {  	_ =	shalt  }
0x57: {  	_ =	shalt  }
0x58: {  	_ =	shalt  }
0x59: {  	_ =	shalt  }
0x5a: {  	_ =	shalt  }
0x5b: {  	_ =	shalt  }
0x5c: {  	_ =	shalt  }
0x5d: {  	_ =	shalt  }
0x5e: {  	_ =	shalt  }
0x5f: {  	_ =	shalt  }
0x60: {  	_ =	shalt  }
0x61: {  	_ =	shalt  }
0x62: {  	_ =	shalt  }
0x63: {  	_ =	shalt  }
0x64: {  	_ =	shalt  }
0x65: {  	_ =	shalt  }
0x66: {  	_ =	shalt  }
0x67: {  	_ =	shalt  }
0x68: {  	_ =	shalt  }
0x69: {  	_ =	shalt  }
0x6a: {  	_ =	shalt  }
0x6b: {  	_ =	shalt  }
0x6c: {  	_ =	shalt  }
0x6d: {  	_ =	shalt  }
0x6e: {  	_ =	shalt  }
0x6f: {  	_ =	shalt  }
0x70: {  	_ =	shalt  }
0x71: {  	_ =	shalt  }
0x72: {  	_ =	shalt  }
0x73: {  	_ =	shalt  }
0x74: {  	_ =	shalt  }
0x75: {  	_ =	shalt  }
0x76: {  	_ =	shalt  }
0x77: {  	_ =	shalt  }
0x78: {  	_ =	shalt  }
0x79: {  	_ =	shalt  }
0x7a: {  	_ =	shalt  }
0x7b: {  	_ =	shalt  }
0x7c: {  	_ =	shalt  }
0x7d: {  	_ =	shalt  }
0x7e: {  	_ =	shalt  }
0x7f: {  	_ =	shalt  }
0x80: {  	_ =	shalt  }
0x81: {  	_ =	shalt  }
0x82: {  	_ =	shalt  }
0x83: {  	_ =	shalt  }
0x84: {  	_ =	shalt  }
0x85: {  	_ =	shalt  }
0x86: {  	_ =	shalt  }
0x87: {  	_ =	shalt  }
.Lfunc_end0:
.L_simem_size_0:
called_computation.1_lowered:
.L_overlay_start_0:
0x88: {  	s2 =	sld [smem:$0x3FD9]  }
0x89: {  	s3 =	sld [smem:$0x3FFE];
	_ =	sdelay $0x1  }
0x8a: {  	s1 =	srdreg.scid  }
0x8b: {  	s0 =	sand.u32 $0x1, s1  }
0x8c: {  	s17 =	sshll.u32 s0, $0xA;
	s2 =	sadd.s32 s3, s2  }
0x8d: {  	s2 =	sadd.s32 s2, s17  }
0x8e: {  	[smem:$0x3FBD] =	sst s2  }
0x8f: {  	_ = 	snop  }
0x90: {  	(tm) =	ssettm $0x1  }
0x91: {  	s18 =	sld [smem:$0x3FFB];
	_ =	sdelay $0x3  }
0x92: {  	_ =	strace s18  }
0x93: {  	s2 =	sld [smem:$0x3FFC];
	_ =	sdelay $0x3  }
0x94: {  	_ =	strace s2  }
0x95: {  	s2 =	sld [smem:$0x3FFD];
	_ =	sdelay $0x3  }
0x96: {  	_ =	strace s2  }
0x97: {  	_ =	strace $0x8FFFFFFF  }
0x98: {  	s19 =	sld [smem:$0x3FDB];
	_ =	sdelay $0x1  }
0x99: {  	s20 =	simm.s32 $_scs_section_size  }
0x9a: {  	s4 =	simm.s32 $_size__tile_overlayer_lowered;
	s5 =	simm.s32 $_tile_overlayer_lowered  }
0x9b: {  	s6 =	simm.s32 $0x1BFF;
	s21 =	sshll.u32 s5, $0x1;
	s3 =	sadd.s32 s20, s19  }
0x9c: {  	s22 =	simm.s32 $0x0;
	s4 =	sshll.u32 s4, $0x1;
	s5 =	sadd.s32 s21, s3  }
0x9d: {  	[timem:s22], [sflag:s6] =	dma.local [hbm:s5], s4  }
0x9e: {  	_ =	swait.ge [sflag:s6], s4  }
0x9f: {  	s4 =	ssub.s32 $0x0, s4;
	[sflag:s6] =	ssyncset.done $0x0  }
0xa0: {  	[sflag:s6] =	ssyncadd.s32 s4;
	_ =	sdelay $0x1  }
0xa1: {  	s23 =	simm.s32 $0x1B8B  }
0xa2: {  	_ =	swait.ge [sflag:s23], $0x1  }
0xa3: {  	[sflag:s23] =	ssyncset.done $0x0  }
0xa4: {  	[sflag:s23] =	ssyncadd.s32 $0xFFFFFFFF  }
0xa5: {  	s4 =	sld [smem:$0x0]  }
0xa6: {  	s5 =	sand.u32 $0xFFFFFFFE, s1  }
0xa7: {  	p0 =	sne.s32 s1, s5  }
0xa8: {  	s5 =	sshll.u32 @p0 s5, $0xE  }
0xa9: {  	s5 =	sadd.s32 @p0 $0x11B8D, s5;
	s6 =	sshll.u32 @p0 s4, $0x11  }
0xaa: {  	s5 =	sor.u32 @p0 s6, s5  }
0xab: {  	[sflag:s5] =	ssyncadd.remote.s32 @p0 $0x1;
	_ =	sdelay $0x1  }
0xac: {  	s5 =	simm.s32 @p0 $0x1B8D  }
0xad: {  	_ =	swait.eq @p0 [sflag:s5], $0x1  }
0xae: {  	[sflag:s5] =	ssyncadd.s32 @p0 $0xFFFFFFFF  }
0xaf: {  	s6 =	sshll.u32 @!p0 s1, $0xE  }
0xb0: {  	s6 =	sor.u32 @!p0 $0x4000, s6;
	s5 =	simm.s32 @!p0 $0x1B8D  }
0xb1: {  	s4 =	sshll.u32 @!p0 s4, $0x11;
	s6 =	sadd.s32 @!p0 $0x11B8D, s6;
	_ =	swait.eq @!p0 [sflag:s5], $0x1  }
0xb2: {  	s4 =	sor.u32 @!p0 s4, s6;
	[sflag:s5] =	ssyncadd.s32 @!p0 $0xFFFFFFFF  }
0xb3: {  	s25 =	simm.s32 $0x1B8E;
	s24 =	sld [smem:$0x3FFE];
	[sflag:s4] =	ssyncadd.remote.s32 @!p0 $0x1  }
0xb4: {  	s26 =	simm.s32 $execute0_lowered;
	[smem:$0x3FD2] =	sst s25  }
0xb5: {  	s5 =	sshll.u32 s26, $0x1;
	_ =	strace $0x80000049;
	[dreg:$0x1] =	wrdreg $0xFFFFFFFF  }
0xb6: {  	s28 =	simm.s32 $_size_execute0_lowered;
	s3 =	sadd.s32 s3, s5;
	[dreg:$0x0] =	wrdreg $0x0  }
0xb7: {  	s5 =	sshll.u32 s28, $0x1;
	[dreg:$0x2] =	wrdreg s3  }
0xb8: {  	[dreg:$0x3] =	wrdreg s5  }
0xb9: {  	[dreg:$0x4] =	wrdreg $0xC0  }
0xba: {  	_ =	task [dreg:s22], $0x5FFFF  }
0xbb: {  	[dreg:$0x1] =	wrdreg $0xFFFFFFFF  }
0xbc: {  	[dreg:$0x0] =	wrdreg $0x60  }
0xbd: {  	[dreg:$0x2] =	wrdreg s24  }
0xbe: {  	[dreg:$0x3] =	wrdreg $0x45100  }
0xbf: {  	[dreg:$0x4] =	wrdreg $0xA  }
0xc0: {  	_ =	task.clear_ibuf [dreg:s22], $0x5FFFF;
	_ =	strace $0x90000049  }
0xc1: {  	s29 =	simm.s32 $0xA;
	_ =	strace $0x8000004B  }
0xc2: {  	_ =	swait.ge [sflag:s29], $0x1  }
0xc3: {  	[sflag:s29] =	ssyncadd.s32 $0xFFFFFFFF  }
0xc4: {  	_ =	strace $0x9000004B  }
0xc5: {  	_ =	sfence  }
0xc6: {  	s30 =	sld [smem:$0x0];
	_ =	sdelay $0x2  }
0xc7: {  	s31 =	sshll.u32 s1, $0xD;
	s1 =	sshrl.u32 s1, $0x2  }
0xc8: {  	s4 =	sand.u32 $0x4000, s31;
	s1 =	sadd.s32 s1, s30  }
0xc9: {  	s0 =	sor.u32 s4, s0;
	s1 =	sshll.u32 s1, $0x11  }
0xca: {  	s0 =	sor.u32 s1, s0  }
0xcb: {  	s0 =	sadd.s32 $0x8F2B, s0  }
0xcc: {  	[sflag:s0] =	ssyncadd.remote.s32 $0x1  }
0xcd: {  	_ =	sfence.sel $0xFFFF  }
0xce: {  	[dreg:$0x0] =	wrdreg $0xFFFFFFFF;
	(pc) =	sbr.abs _section_cstart, $3  }
0xcf: {  	[dreg:$0x1] =	wrdreg $0xFFFFFFFF  }
0xd0: {  	_ =	task.clear_ibuf [dreg:s22], $0x2FFFF;
	_ =	strace $0x9FFFFFFF  }
0xd1: {  	(tm) =	ssettm $0x7FFFFFFF  }
tec
execute0_lowered:
.L_overlay_start_1:
0x0: {  	(tag) =	ssettag $0x1  }
0x1: {  	s24 =	stileid.u32  }
0x2: {  	s1 =	srdreg.scid;
	s4 =	smul.u32 $0x4E20, s24  }
0x3: {  	s0 =	rddreg [dreg:$0x0];
	s1 =	sand.u32 $0x1, s1;
	s9 =	smul.u32 $0x1400, s24  }
0x4: {  	s2 =	rddreg [dreg:$0x1];
	s5 =	smul.u32 $0xC8, s1  }
0x5: {  	s3 =	simm.s32 $0x0;
	s12 =	sor.u32 $0x20, s24;
	s7 =	smul.u32 $0x4E20, s1  }
0x6: {  	s28 =	simm.s32 $0x4;
	s14 =	sor.u32 $0x30, s24;
	s23 =	smul.u32 $0x1400, s12  }
0x7: {  	s29 =	simm.s32 $0x1;
	s16 =	sor.u32 $0x40, s24;
	s15 =	smul.u32 $0x1400, s14  }
0x8: {  	s30 =	simm.s32 $0x2710;
	s18 =	sor.u32 $0x50, s24;
	s17 =	smul.u32 $0x1400, s16  }
0x9: {  	s31 =	simm.s32 $0x3;
	s20 =	sor.u32 $0x60, s24;
	s21 =	smul.u32 $0x1400, s18  }
0xa: {  	[smem:$0x7FF] =	sst s3;
	s6 =	sadd.s32 $0x525E00, s0;
	s22 =	smul.u32 $0x1400, s20  }
0xb: {  	s10 =	sor.u32 $0x10, s24;
	s13 =	sadd.s32 $0x43E00, s0;
	s14 =	smul.u32 $0xA0, s14  }
0xc: {  	_ =	strace $0x8000004A;
	[dreg:$0x3] =	wrdreg s13;
	s18 =	smul.u32 $0xA0, s18  }
0xd: {  	s26 =	ssub.s32 $0x2, s1;
	s1 =	sor.u32 $0x2, s1;
	s20 =	smul.u32 $0xA0, s20  }
0xe: {  	s19 =	sshrl.u32 s26, $0x1;
	s1 =	smul.u32 $0xC8, s1;
	s25 =	sshrl.u32 s9, $0x2  }
0xf: {  	s9 =	smul.u32 $0xA0, s10;
	s5 =	sadd.s32 s5, s4;
	s13 =	sshrl.u32 s15, $0x2  }
0x10: {  	s8 =	sshrl.u32 s5, $0x3;
	s5 =	sshll.u32 s5, $0x1;
	s1 =	sadd.s32 s4, s1  }
0x11: {  	s11 =	sadd.s32 s8, s0;
	s8 =	smul.u32 $0x1400, s10;
	s0 =	sadd.s32 s7, s0  }
0x12: {  	s7 =	ssub.s32 s26, s19;
	s26 =	sadd.s32 s6, s5;
	s19 =	smul.u32 $0xA0, s24  }
0x13: {  	s10 =	smul.u32 $0xA0, s12;
	s12 =	sshrl.u32 s23, $0x2;
	s23 =	sshrl.u32 s17, $0x2  }
0x14: {  	s17 =	smul.u32 $0xA0, s16;
	s1 =	sshll.u32 s1, $0x1;
	s7 =	smax.u32 s7, $0x1  }
0x15: {  	s0 =	sadd.s32 $0x44000, s0;
	s1 =	sadd.s32 s6, s1;
	[dreg:$0x4] =	wrdreg s7  }
0x16: {  	s8 =	sshrl.u32 s8, $0x2;
	s7 =	sadd.s32 s25, s2;
	s25 =	sor.u32 $0x70, s24  }
0x17: {  	[dreg:$0x5] =	wrdreg s1;
	s19 =	sadd.s32 s0, s19;
	s24 =	sadd.s32 s0, s9  }
0x18: {  	s6 =	sadd.s32 s0, s10;
	s10 =	sadd.s32 s0, s14;
	[dreg:$0x6] =	wrdreg s19  }
0x19: {  	s4 =	sadd.s32 s0, s17;
	s14 =	sadd.s32 s0, s18;
	[dreg:$0x7] =	wrdreg s24  }
0x1a: {  	s16 =	sadd.s32 s0, s20;
	s18 =	sadd.s32 s12, s2;
	[dreg:$0x8] =	wrdreg s6  }
0x1b: {  	s20 =	sadd.s32 s23, s2;
	s23 =	sshrl.u32 s21, $0x2;
	[dreg:$0x9] =	wrdreg s10  }
0x1c: {  	s1 =	simm.s32 $0x2;
	s9 =	smul.u32 $0xA0, s25;
	[dreg:$0xa] =	wrdreg s4  }
0x1d: {  	s8 =	sadd.s32 s8, s2;
	[dreg:$0xb] =	wrdreg s14;
	s15 =	smul.u32 $0x1400, s25  }
0x1e: {  	s19 =	sadd.s32 s13, s2;
	s24 =	sshrl.u32 s22, $0x2;
	s21 =	sadd.s32 s23, s2  }
0x1f: {  	p0 =	sgt.u32 s25, $0x7C;
	s25 =	sadd.s32 $0x640, s26;
	s4 =	simm.s32 $0x5  }
0x20: {  	s6 =	simm.s32 $0x0;
	s22 =	sadd.s32 s24, s2;
	s24 =	sadd.s32 $0x34800, s11  }
0x21: {  	s17 =	sadd.s32 s0, s9;
	s0 =	sshrl.u32 s15, $0x2;
	s15 =	smov.u32 s26  }
0x22: {  	s26 =	simm.s32 $0x4010;
	s23 =	sadd.s32 s0, s2;
	s0 =	simm.s32 $0xC8  }
.LBB2_1:
0x23: {  	s5 =	rddreg [dreg:$0x3]  }
0x24: {  	[tilespmem:s26], [sflag:$0x4] =	stream.linear.gather [hbm4b:s5+s3], $0x500, $0x38;
	[tilespmem:$0x6C20] =	vst v63  }
0x25: {  	_ =	swait.ge [sflag:s28], $0x500  }
0x26: {  	[sflag:s28] =	ssyncset.done $0x0  }
0x27: {  	[sflag:s28] =	ssyncadd.s32 $0xFFFFFB00  }
0x28: {  	[spmem:s7] =	stream.linear.scatter [tilespmem:s26], [sflag:$0x4], $0x500, $0x38;
	[tilespmem:$0x6C20] =	vst v63  }
0x29: {  	_ =	swait.ge [sflag:s28], $0x500  }
0x2a: {  	[sflag:s28] =	ssyncset.done $0x0  }
0x2b: {  	[sflag:s28] =	ssyncadd.s32 $0xFFFFFB00  }
0x2c: {  	[spmem:s8] =	stream.linear.scatter [tilespmem:s26], [sflag:$0x4], $0x500, $0x38;
	[tilespmem:$0x6C20] =	vst v63  }
0x2d: {  	_ =	swait.ge [sflag:s28], $0x500  }
0x2e: {  	[sflag:s28] =	ssyncset.done $0x0  }
0x2f: {  	[sflag:s28] =	ssyncadd.s32 $0xFFFFFB00  }
0x30: {  	[spmem:s18] =	stream.linear.scatter [tilespmem:s26], [sflag:$0x4], $0x500, $0x38;
	[tilespmem:$0x6C20] =	vst v63  }
0x31: {  	_ =	swait.ge [sflag:s28], $0x500  }
0x32: {  	[sflag:s28] =	ssyncset.done $0x0  }
0x33: {  	[sflag:s28] =	ssyncadd.s32 $0xFFFFFB00  }
0x34: {  	[spmem:s19] =	stream.linear.scatter [tilespmem:s26], [sflag:$0x4], $0x500, $0x38;
	[tilespmem:$0x6C20] =	vst v63  }
0x35: {  	_ =	swait.ge [sflag:s28], $0x500  }
0x36: {  	[sflag:s28] =	ssyncset.done $0x0  }
0x37: {  	[sflag:s28] =	ssyncadd.s32 $0xFFFFFB00  }
0x38: {  	[spmem:s20] =	stream.linear.scatter [tilespmem:s26], [sflag:$0x4], $0x500, $0x38;
	[tilespmem:$0x6C20] =	vst v63  }
0x39: {  	_ =	swait.ge [sflag:s28], $0x500  }
0x3a: {  	[sflag:s28] =	ssyncset.done $0x0  }
0x3b: {  	[sflag:s28] =	ssyncadd.s32 $0xFFFFFB00  }
0x3c: {  	[spmem:s21] =	stream.linear.scatter [tilespmem:s26], [sflag:$0x4], $0x500, $0x38;
	[tilespmem:$0x6C20] =	vst v63  }
0x3d: {  	_ =	swait.ge [sflag:s28], $0x500  }
0x3e: {  	[sflag:s28] =	ssyncset.done $0x0  }
0x3f: {  	[sflag:s28] =	ssyncadd.s32 $0xFFFFFB00  }
0x40: {  	[spmem:s22] =	stream.linear.scatter [tilespmem:s26], [sflag:$0x4], $0x500, $0x38;
	[tilespmem:$0x6C20] =	vst v63  }
0x41: {  	_ =	swait.ge [sflag:s28], $0x500  }
0x42: {  	[sflag:s28] =	ssyncset.done $0x0  }
0x43: {  	s5 =	simm.s32 @!p0 $0x4010;
	[sflag:s28] =	ssyncadd.s32 $0xFFFFFB00  }
0x44: {  	[spmem:s23] =	stream.linear.scatter @!p0 [tilespmem:s5], [sflag:$0x4], $0x500, $0x38;
	[tilespmem:$0x6C20] =	vst v63  }
0x45: {  	s5 =	simm.s32 @!p0 $0x4  }
0x46: {  	_ =	swait.ge @!p0 [sflag:s5], $0x500  }
0x47: {  	[sflag:s5] =	ssyncset.done @!p0 $0x0  }
0x48: {  	[sflag:s5] =	ssyncadd.s32 @!p0 $0xFFFFFB00  }
0x49: {  	s9 =	simm.s32 $0x0;
	s5 =	simm.s32 $0x0;
	[bflag:$0x0] =	sbarrier.arrive $0xFFFF  }
.LBB2_2:
0x4a: {  	p1 =	sne.s32 s9, $0x992  }
.Ltmp0:
0x4b: {  	_ = 	snop;
	(pc) =	sbr.rel @p1 .LBB2_2-.Ltmp0, $4  }
0x4c: {  	_ = 	snop  }
0x4d: {  	s10 =	sadd.s32 s9, s24  }
0x4e: {  	[tilespmem:s5], [sflag:$0x1] =	stream.linear.gather [hbm4b:s10+s3], $0xC8, $0x38;
	[tilespmem:$0x6C20] =	vst v63  }
0x4f: {  	s9 =	sadd.s32 $0x32, s9;
	s5 =	sadd.s32 $0xC8, s5  }
0x50: {  	_ =	swait.ge [sflag:s29], $0xC8  }
0x51: {  	s5 =	simm.s32 $0x31;
	[sflag:s29] =	ssyncset.done $0x0  }
.LBB2_4:
0x52: {  	p1 =	sne.s32 s5, $0x1;
	s5 =	sadd.s32 $0xFFFFFFFF, s5;
	[sflag:s29] =	ssyncadd.s32 $0xFFFFFF38  }
.Ltmp1:
0x53: {  	(pc) =	sbr.rel @p1 .LBB2_4-.Ltmp1, $3  }
0x54: {  	_ =	sdelay $0x1  }
0x55: {  	_ =	swait.ge [sflag:s29], $0xC8  }
0x56: {  	[sflag:s29] =	ssyncset.done $0x0  }
0x57: {  	[sflag:s29] =	ssyncadd.s32 $0xFFFFFF38;
	s10 =	simm.s32 $0x2  }
0x58: {  	[tilespmem:s30], [sflag:$0x2] =	stream.linear.gather [hbm4b:s15+s3], $0xC80, $0x38;
	[tilespmem:$0x6C20] =	vst v63  }
0x59: {  	_ =	swait.ge [sflag:s10], $0xC80  }
0x5a: {  	[sflag:s10] =	ssyncset.done $0x0  }
0x5b: {  	s9 =	simm.s32 $0x3390;
	s5 =	rddreg [dreg:$0x5];
	[sflag:s10] =	ssyncadd.s32 $0xFFFFF380  }
0x5c: {  	[tilespmem:s9], [sflag:$0x2] =	stream.linear.gather [hbm4b:s5+s3], $0xC80, $0x38;
	[tilespmem:$0x6C20] =	vst v63  }
0x5d: {  	s5 =	simm.s32 $0xC8  }
0x5e: {  	[spmem:s2] =	stream.indirect.scatter.add.f32 [tilespmem:s30], [sflag:$0x3], $0x10, s3, s5, $0xb8;
	[tilespmem:$0x6C20] =	vst v63  }
0x5f: {  	s11 =	simm.s32 $0x1;
	_ =	swait.ge [sflag:s10], $0xC80  }
0x60: {  	s11 =	sxor.u32 $0x1, s11;
	[sflag:s10] =	ssyncset.done $0x0  }
0x61: {  	s11 =	smul.u32 $0x3200, s11;
	[sflag:s10] =	ssyncadd.s32 $0xFFFFF380  }
0x62: {  	_ =	swait.ge [sflag:s31], $0xC80  }
0x63: {  	s11 =	sshra.s32 s11, $0x2;
	[sflag:s31] =	ssyncset.done $0x0  }
0x64: {  	s11 =	sadd.s32 $0x2710, s11;
	[sflag:s31] =	ssyncadd.s32 $0xFFFFF380  }
0x65: {  	[tilespmem:s11], [sflag:$0x2] =	stream.linear.gather [hbm4b:s25+s3], $0xC80, $0x38;
	[tilespmem:$0x6C20] =	vst v63  }
0x66: {  	s10 =	sand.u32 $0x1, s10  }
0x67: {  	[spmem:s2] =	stream.indirect.scatter.add.f32 [tilespmem:s9], [sflag:$0x3], $0x10, s5, s0, $0xb8;
	[tilespmem:$0x6C20] =	vst v63  }
0x68: {  	s14 =	sxor.u32 $0x1, s10;
	s12 =	smul.u32 $0x3200, s10;
	_ =	swait.ge [sflag:s1], $0xC80  }
0x69: {  	s13 =	smul.u32 $0x3200, s14;
	[sflag:s1] =	ssyncset.done $0x0  }
0x6a: {  	s10 =	simm.s32 $0x4;
	s12 =	sshrl.u32 s12, $0x2;
	[sflag:s1] =	ssyncadd.s32 $0xFFFFF380  }
0x6b: {  	s11 =	sadd.s32 $0x320, s25;
	s13 =	sshra.s32 s13, $0x2;
	_ =	swait.ge [sflag:s31], $0xC80  }
0x6c: {  	s12 =	sadd.s32 $0x2710, s12;
	s9 =	simm.s32 $0x3;
	[sflag:s31] =	ssyncset.done $0x0  }
.LBB2_6:
0x6d: {  	s13 =	sadd.s32 $0x2710, s13;
	[sflag:s31] =	ssyncadd.s32 $0xFFFFF380;
	s5 =	sadd.s32 $0xC8, s5  }
0x6e: {  	[tilespmem:s13], [sflag:$0x2] =	stream.linear.gather [hbm4b:s11+s3], $0xC80, $0x38;
	[tilespmem:$0x6C20] =	vst v63  }
0x6f: {  	p1 =	sne.s32 s10, $0x31;
	s13 =	smov.u32 s10;
	s10 =	sadd.s32 $0x1, s10  }
0x70: {  	[spmem:s2] =	stream.indirect.scatter.add.f32 [tilespmem:s12], [sflag:$0x3], $0x10, s5, s0, $0xb8;
	[tilespmem:$0x6C20] =	vst v63  }
.Ltmp2:
0x71: {  	s9 =	sand.u32 $0x1, s9;
	_ =	swait.ge [sflag:s1], $0xC80;
	(pc) =	sbr.rel @p1 .LBB2_6-.Ltmp2, $4  }
0x72: {  	s14 =	smul.u32 $0x3200, s9;
	s12 =	sxor.u32 $0x1, s9;
	[sflag:s1] =	ssyncset.done $0x0  }
0x73: {  	s9 =	smov.u32 s13;
	s12 =	smul.u32 $0x3200, s12;
	[sflag:s1] =	ssyncadd.s32 $0xFFFFF380  }
0x74: {  	s11 =	sadd.s32 $0x320, s11;
	s14 =	sshrl.u32 s14, $0x2;
	_ =	swait.ge [sflag:s31], $0xC80  }
0x75: {  	s13 =	sshra.s32 s12, $0x2;
	s12 =	sadd.s32 $0x2710, s14;
	[sflag:s31] =	ssyncset.done $0x0  }
0x76: {  	s10 =	sadd.s32 $0x2710, s13;
	[sflag:s31] =	ssyncadd.s32 $0xFFFFF380  }
0x77: {  	[tilespmem:s10], [sflag:$0x2] =	stream.linear.gather [hbm4b:s11+s3], $0xC80, $0x38;
	[tilespmem:$0x6C20] =	vst v63  }
0x78: {  	s5 =	sadd.s32 $0xC8, s5  }
0x79: {  	[spmem:s2] =	stream.indirect.scatter.add.f32 [tilespmem:s12], [sflag:$0x3], $0x10, s5, s0, $0xb8;
	[tilespmem:$0x6C20] =	vst v63  }
0x7a: {  	_ =	swait.ge [sflag:s1], $0xC80  }
0x7b: {  	s9 =	sand.u32 $0x1, s9;
	[sflag:s1] =	ssyncset.done $0x0  }
0x7c: {  	s9 =	smul.u32 $0x3200, s9;
	[sflag:s1] =	ssyncadd.s32 $0xFFFFF380  }
0x7d: {  	_ =	swait.ge [sflag:s31], $0xC80  }
0x7e: {  	s9 =	sshrl.u32 s9, $0x2;
	[sflag:s31] =	ssyncset.done $0x0  }
0x7f: {  	s5 =	sadd.s32 $0xC8, s5;
	s9 =	sadd.s32 $0x2710, s9;
	[sflag:s31] =	ssyncadd.s32 $0xFFFFF380  }
0x80: {  	[spmem:s2] =	stream.indirect.scatter.add.f32 [tilespmem:s9], [sflag:$0x3], $0x10, s5, s0, $0xb8;
	[tilespmem:$0x6C20] =	vst v63  }
0x81: {  	_ =	swait.ge [sflag:s31], $0xC80  }
0x82: {  	[sflag:s31] =	ssyncset.done $0x0  }
0x83: {  	[sflag:s31] =	ssyncadd.s32 $0xFFFFF380  }
0x84: {  	[bflag:$0x0] =	sbarrier.arrive $0xFFFF  }
0x85: {  	[tilespmem:s26], [sflag:$0x5] =	stream.linear.gather [spmem:s7], $0x500, $0x38;
	[tilespmem:$0x6C20] =	vst v63  }
0x86: {  	_ =	swait.ge [sflag:s4], $0x500  }
0x87: {  	[sflag:s4] =	ssyncset.done $0x0  }
0x88: {  	s14 =	rddreg [dreg:$0x6];
	[sflag:s4] =	ssyncadd.s32 $0xFFFFFB00  }
0x89: {  	[hbm4b:s14+s3] =	stream.linear.scatter [tilespmem:s26], [sflag:$0x4], $0x500, $0x38;
	[tilespmem:$0x6C20] =	vst v63  }
0x8a: {  	_ =	swait.ge [sflag:s28], $0x500  }
0x8b: {  	[sflag:s28] =	ssyncset.done $0x0  }
0x8c: {  	[sflag:s28] =	ssyncadd.s32 $0xFFFFFB00  }
0x8d: {  	[tilespmem:s26], [sflag:$0x5] =	stream.linear.gather [spmem:s8], $0x500, $0x38;
	[tilespmem:$0x6C20] =	vst v63  }
0x8e: {  	_ =	swait.ge [sflag:s4], $0x500  }
0x8f: {  	[sflag:s4] =	ssyncset.done $0x0  }
0x90: {  	s9 =	rddreg [dreg:$0x7];
	[sflag:s4] =	ssyncadd.s32 $0xFFFFFB00  }
0x91: {  	[hbm4b:s9+s3] =	stream.linear.scatter [tilespmem:s26], [sflag:$0x4], $0x500, $0x38;
	[tilespmem:$0x6C20] =	vst v63  }
0x92: {  	_ =	swait.ge [sflag:s28], $0x500  }
0x93: {  	[sflag:s28] =	ssyncset.done $0x0  }
0x94: {  	[sflag:s28] =	ssyncadd.s32 $0xFFFFFB00  }
0x95: {  	[tilespmem:s26], [sflag:$0x5] =	stream.linear.gather [spmem:s18], $0x500, $0x38;
	[tilespmem:$0x6C20] =	vst v63  }
0x96: {  	_ =	swait.ge [sflag:s4], $0x500  }
0x97: {  	[sflag:s4] =	ssyncset.done $0x0  }
0x98: {  	s10 =	rddreg [dreg:$0x8];
	[sflag:s4] =	ssyncadd.s32 $0xFFFFFB00  }
0x99: {  	[hbm4b:s10+s3] =	stream.linear.scatter [tilespmem:s26], [sflag:$0x4], $0x500, $0x38;
	[tilespmem:$0x6C20] =	vst v63  }
0x9a: {  	_ =	swait.ge [sflag:s28], $0x500  }
0x9b: {  	[sflag:s28] =	ssyncset.done $0x0  }
0x9c: {  	[sflag:s28] =	ssyncadd.s32 $0xFFFFFB00  }
0x9d: {  	[tilespmem:s26], [sflag:$0x5] =	stream.linear.gather [spmem:s19], $0x500, $0x38;
	[tilespmem:$0x6C20] =	vst v63  }
0x9e: {  	_ =	swait.ge [sflag:s4], $0x500  }
0x9f: {  	[sflag:s4] =	ssyncset.done $0x0  }
0xa0: {  	s11 =	rddreg [dreg:$0x9];
	[sflag:s4] =	ssyncadd.s32 $0xFFFFFB00  }
0xa1: {  	[hbm4b:s11+s3] =	stream.linear.scatter [tilespmem:s26], [sflag:$0x4], $0x500, $0x38;
	[tilespmem:$0x6C20] =	vst v63  }
0xa2: {  	_ =	swait.ge [sflag:s28], $0x500  }
0xa3: {  	[sflag:s28] =	ssyncset.done $0x0  }
0xa4: {  	[sflag:s28] =	ssyncadd.s32 $0xFFFFFB00  }
0xa5: {  	[tilespmem:s26], [sflag:$0x5] =	stream.linear.gather [spmem:s20], $0x500, $0x38;
	[tilespmem:$0x6C20] =	vst v63  }
0xa6: {  	_ =	swait.ge [sflag:s4], $0x500  }
0xa7: {  	[sflag:s4] =	ssyncset.done $0x0  }
0xa8: {  	s12 =	rddreg [dreg:$0xa];
	[sflag:s4] =	ssyncadd.s32 $0xFFFFFB00  }
0xa9: {  	[hbm4b:s12+s3] =	stream.linear.scatter [tilespmem:s26], [sflag:$0x4], $0x500, $0x38;
	[tilespmem:$0x6C20] =	vst v63  }
0xaa: {  	_ =	swait.ge [sflag:s28], $0x500  }
0xab: {  	[sflag:s28] =	ssyncset.done $0x0  }
0xac: {  	[sflag:s28] =	ssyncadd.s32 $0xFFFFFB00  }
0xad: {  	[tilespmem:s26], [sflag:$0x5] =	stream.linear.gather [spmem:s21], $0x500, $0x38;
	[tilespmem:$0x6C20] =	vst v63  }
0xae: {  	_ =	swait.ge [sflag:s4], $0x500  }
0xaf: {  	[sflag:s4] =	ssyncset.done $0x0  }
0xb0: {  	s13 =	rddreg [dreg:$0xb];
	[sflag:s4] =	ssyncadd.s32 $0xFFFFFB00  }
0xb1: {  	[hbm4b:s13+s3] =	stream.linear.scatter [tilespmem:s26], [sflag:$0x4], $0x500, $0x38;
	[tilespmem:$0x6C20] =	vst v63  }
0xb2: {  	_ =	swait.ge [sflag:s28], $0x500  }
0xb3: {  	[sflag:s28] =	ssyncset.done $0x0  }
0xb4: {  	[sflag:s28] =	ssyncadd.s32 $0xFFFFFB00  }
0xb5: {  	[tilespmem:s26], [sflag:$0x5] =	stream.linear.gather [spmem:s22], $0x500, $0x38;
	[tilespmem:$0x6C20] =	vst v63  }
0xb6: {  	_ =	swait.ge [sflag:s4], $0x500  }
0xb7: {  	[sflag:s4] =	ssyncset.done $0x0  }
0xb8: {  	[sflag:s4] =	ssyncadd.s32 $0xFFFFFB00  }
0xb9: {  	[hbm4b:s16+s3] =	stream.linear.scatter [tilespmem:s26], [sflag:$0x4], $0x500, $0x38;
	[tilespmem:$0x6C20] =	vst v63  }
0xba: {  	_ =	swait.ge [sflag:s28], $0x500  }
0xbb: {  	[sflag:s28] =	ssyncset.done $0x0  }
0xbc: {  	s5 =	simm.s32 @!p0 $0x4010;
	s9 =	simm.s32 @!p0 $0x5;
	[sflag:s28] =	ssyncadd.s32 $0xFFFFFB00  }
0xbd: {  	[tilespmem:s5], [sflag:$0x5] =	stream.linear.gather @!p0 [spmem:s23], $0x500, $0x38;
	[tilespmem:$0x6C20] =	vst v63  }
0xbe: {  	_ =	swait.ge @!p0 [sflag:s9], $0x500  }
0xbf: {  	[sflag:s9] =	ssyncset.done @!p0 $0x0  }
0xc0: {  	[sflag:s9] =	ssyncadd.s32 @!p0 $0xFFFFFB00;
	s9 =	simm.s32 @!p0 $0x0  }
0xc1: {  	[hbm4b:s17+s9] =	stream.linear.scatter @!p0 [tilespmem:s5], [sflag:$0x4], $0x500, $0x38;
	[tilespmem:$0x6C20] =	vst v63  }
0xc2: {  	s5 =	simm.s32 @!p0 $0x4  }
0xc3: {  	_ =	swait.ge @!p0 [sflag:s5], $0x500  }
0xc4: {  	s6 =	sadd.s32 $0x1, s6;
	s14 =	rddreg [dreg:$0x4]  }
0xc5: {  	p1 =	sne.s32 s6, s14  }
.Ltmp3:
0xc6: {  	_ = 	snop;
	(pc) =	sbr.rel @p1 .LBB2_1-.Ltmp3, $3  }
0xc7: {  	_ =	sdelay $0x1  }
0xc8: {  	[sflag:s5] =	ssyncset.done @!p0 $0x0  }
0xc9: {  	[sflag:s5] =	ssyncadd.s32 @!p0 $0xFFFFFB00  }
0xca: {  	_ =	sfence.sel $0x180000  }
0xcb: {  	[bflag:$0x0] =	sbarrier.arrive $0xFFFF  }
0xcc: {  	_ =	strace $0x9000004A  }
0xcd: {  	s0 =	stileid.u32;
	[bflag:$0x2] =	sbarrier.arrive $0xFFFF  }
0xce: {  	p0 =	sne.s32 s0, $0x0;
	s0 =	rddreg [dreg:$0x2]  }
0xcf: {  	s0 =	sadd.s32 @!p0 $0x100000, s0  }
0xd0: {  	[sflag:s0] =	ssyncadd.tile.s32 @!p0 $0x1;
	_ =	shalt  }
.Lfunc_end2:
_tile_overlayer_lowered:
.L_overlay_start_2:
0xd1: {  	(tag) =	ssettag $0x2  }
0xd2: {  	s0 =	rddreg [dreg:$0x0];
	s2 =	stileid.u32  }
0xd3: {  	s1 =	rddreg [dreg:$0x1];
	p0 =	sne.s32 s2, $0x0  }
0xd4: {  	s3 =	rddreg [dreg:$0x2];
	[bflag:$0x3] =	sbarrier.arrive $0xFFFF;
	s2 =	simm.s32 @!p0 $0x1C04  }
0xd5: {  	[timem:s3], [sflag:s2] =	dma.local @!p0 [hbm:s0], s1  }
0xd6: {  	s0 =	simm.s32 @!p0 $0x4  }
0xd7: {  	_ =	swait.ge @!p0 [sflag:s0], s1  }
0xd8: {  	s1 =	ssub.s32 @!p0 $0x0, s1;
	[sflag:s0] =	ssyncset.done @!p0 $0x0  }
0xd9: {  	[sflag:s0] =	ssyncadd.s32 @!p0 s1  }
0xda: {  	[bflag:$0x3] =	sbarrier.arrive $0xFFFF  }
0xdb: {  	_ =	shalt  }

</sc_bundles>
